<compile_context>
chip_gen: v7x
topology: tpu7x:2x2x1
jax: 0.10.2.dev20260603
libtpu: 0.0.44.dev20260713+nightly
codegen_flags: <defaults>
</compile_context>

<pallas_src>
import functools

import jax
import jax.numpy as jnp
from jax import lax
from jax.experimental import pallas as pl
from jax.experimental.pallas import tpu as pltpu
from jax.experimental.pallas import tpu_sc as plsc

N = 18432
K = 8192
D = 256
BN = 256
NB = N // BN
COMMIT = 0.25


def _argmin_body(x_ref, w_ref, idx_ref, s2_ref):
    i = pl.program_id(0)
    w = w_ref[...]

    @pl.when(i == 0)
    def _():
        s2_ref[...] = jnp.sum(w * w, axis=1).reshape(1, K)

    x = x_ref[...]
    s1 = jnp.sum(x * x, axis=1).reshape(BN, 1)
    mm = lax.dot_general(
        x, w, (((1,), (1,)), ((), ())), preferred_element_type=jnp.float32
    )
    dist = (s1 + s2_ref[...]) - 2.0 * mm
    m = jnp.min(dist, axis=1, keepdims=True)
    iota = lax.broadcasted_iota(jnp.int32, (BN, K), 1)
    cand = jnp.where(dist == m, iota, K)
    idx_ref[...] = jnp.min(cand, axis=1).reshape(1, 1, BN)


def _tc_argmin(inputs, weight):
    return pl.pallas_call(
        _argmin_body,
        grid=(NB,),
        in_specs=[
            pl.BlockSpec((BN, D), lambda i: (i, 0)),
            pl.BlockSpec((K, D), lambda i: (0, 0)),
        ],
        out_specs=pl.BlockSpec((1, 1, BN), lambda i: (i, 0, 0)),
        out_shape=jax.ShapeDtypeStruct((NB, 1, BN), jnp.int32),
        scratch_shapes=[pltpu.VMEM((1, K), jnp.float32)],
    )(inputs, weight)


_NC = 2
_NS = 16
_NW = _NC * _NS
_BPW = N // _NW
_CHUNK = 96
_NCHUNK = _BPW // _CHUNK


def _sc_gather_body(table_hbm, idx_hbm, out_hbm, idx_v, rows_v, sem):
    wid = lax.axis_index("s") * _NC + lax.axis_index("c")
    base = wid * _BPW
    for c in range(_NCHUNK):
        pltpu.sync_copy(idx_hbm.at[pl.ds(base + c * _CHUNK, _CHUNK)], idx_v.at[c])
    for c in range(_NCHUNK):
        pltpu.async_copy(table_hbm.at[idx_v.at[c]], rows_v, sem).wait()
        pltpu.sync_copy(rows_v, out_hbm.at[pl.ds(base + c * _CHUNK, _CHUNK)])


@functools.cache
def _sc_gather():
    return pl.kernel(
        _sc_gather_body,
        mesh=plsc.VectorSubcoreMesh(core_axis_name="c", subcore_axis_name="s"),
        out_type=jax.ShapeDtypeStruct((N, D), jnp.float32),
        scratch_types=[
            pltpu.VMEM((_NCHUNK, _CHUNK), jnp.int32),
            pltpu.VMEM((_CHUNK, D), jnp.float32),
            pltpu.SemaphoreType.DMA,
        ],
    )


def _finish_body(x_ref, q_ref, qst_ref, loss_ref, acc_ref):
    i = pl.program_id(0)
    x = x_ref[...]
    q = q_ref[...]
    qst_ref[...] = x + (q - x)
    d = q - x
    part = jnp.sum(d * d)

    @pl.when(i == 0)
    def _():
        acc_ref[0, 0] = part

    @pl.when(i > 0)
    def _():
        acc_ref[0, 0] = acc_ref[0, 0] + part

    @pl.when(i == NB - 1)
    def _():
        loss_ref[0, 0] = acc_ref[0, 0] * ((1.0 + COMMIT) / (N * D))


def _tc_finish(inputs, quant):
    return pl.pallas_call(
        _finish_body,
        grid=(NB,),
        in_specs=[
            pl.BlockSpec((BN, D), lambda i: (i, 0)),
            pl.BlockSpec((BN, D), lambda i: (i, 0)),
        ],
        out_specs=[
            pl.BlockSpec((BN, D), lambda i: (i, 0)),
            pl.BlockSpec(memory_space=pltpu.SMEM),
        ],
        out_shape=[
            jax.ShapeDtypeStruct((N, D), jnp.float32),
            jax.ShapeDtypeStruct((1, 1), jnp.float32),
        ],
        scratch_shapes=[pltpu.SMEM((1, 1), jnp.float32)],
    )(inputs, quant)


def kernel(inputs, weight):
    flat = inputs.reshape(N, D)
    idx = _tc_argmin(flat, weight).reshape(N)
    quant = _sc_gather()(weight, idx)
    qst, loss = _tc_finish(flat, quant)
    return qst, loss[0, 0]

# --- scband reference (transcript-rebuilt; emitter-appended) ---
"""Pipeline reference for scband-vector-quantizer-28965259444839 (READ-ONLY COPY).

The authoritative reference and input builder live on the scoring server;
editing this copy changes nothing except your own understanding.
"""

import jax, jax.numpy as jnp
import numpy as np

NUM_EMBEDDINGS = 8192
EMBEDDING_DIM = 256
COMMITMENT_COST = 0.25


def setup_inputs(seed: int = 0) -> dict:
    key = jax.random.key(seed)
    k_in, k_emb = jax.random.split(key)
    inputs = jax.random.normal(k_in, (18432, EMBEDDING_DIM), dtype=jnp.float32)
    # nn.Embedding weight init: uniform(-1/num_embeddings, 1/num_embeddings)
    weight = jax.random.uniform(
        k_emb,
        (NUM_EMBEDDINGS, EMBEDDING_DIM),
        dtype=jnp.float32,
        minval=-1.0 / NUM_EMBEDDINGS,
        maxval=1.0 / NUM_EMBEDDINGS,
    )
    return {"inputs": inputs, "weight": weight}


def reference(inputs, weight):
    flat_input = inputs.reshape(-1, EMBEDDING_DIM)
    distances = (
        jnp.sum(flat_input ** 2, axis=1, keepdims=True)
        + jnp.sum(weight ** 2, axis=1)
        - 2.0 * jnp.matmul(flat_input, weight.T)
    )
    encoding_indices = jnp.argmin(distances, axis=1)
    quantized = jnp.take(weight, encoding_indices, axis=0)
    codebook_loss = jnp.mean((quantized - jax.lax.stop_gradient(inputs)) ** 2)
    commitment_loss = jnp.mean((inputs - jax.lax.stop_gradient(quantized)) ** 2)
    loss = codebook_loss + COMMITMENT_COST * commitment_loss
    quantized_st = inputs + jax.lax.stop_gradient(quantized - inputs)
    return (quantized_st, loss)

if __name__ == "__main__":
    import jax
    _d = setup_inputs()
    print(jax.jit(kernel)(*tuple(_d.values())))

</pallas_src>

<mosaic_0001>
#map = affine_map<(d0, d1) -> (0, 0)>
#map1 = affine_map<(d0, d1) -> (0)>
module attributes {stable_mosaic.version = 14 : i64} {
  func.func @_sc_gather_body(%arg0: i32, %arg1: i32, %arg2: memref<8192x256xf32, #tpu.memory_space<hbm>>, %arg3: memref<18432xi32, #tpu.memory_space<hbm>>, %arg4: memref<18432x256xf32, #tpu.memory_space<hbm>>, %arg5: memref<6x96xi32, #tpu.memory_space<vmem>>, %arg6: memref<96x256xf32, #tpu.memory_space<vmem>>, %arg7: memref<!tpu.dma_semaphore, #tpu.memory_space<semaphore_mem>>) attributes {dimension_semantics = [#tpu.dimension_semantics<core_parallel>, #tpu.dimension_semantics<subcore_parallel>], iteration_bounds = array<i64: 2, 16>, scalar_prefetch = 0 : i64, scratch_operands = 3 : i64, tpu.core_type = #tpu.core_type<sc_vector_subcore>, window_params = [{transform_indices = #map}, {transform_indices = #map1}, {transform_indices = #map}]} {
    %mul3A = arith.constant 2 : i32
    %mul3A_0 = arith.muli %arg1, %mul3A : i32
    %add3A = arith.addi %mul3A_0, %arg0 : i32
    %mul3A_1 = arith.constant 576 : i32
    %mul3A_2 = arith.muli %add3A, %mul3A_1 : i32
    %add3A_3 = arith.constant 0 : i32
    %add3A_4 = arith.addi %mul3A_2, %add3A_3 : i32
    %run_scoped3A = arith.constant 0 : i32
    "tpu.region"() ({
      %run_scoped3A_114 = tpu.sem_alloc : memref<!tpu.dma_semaphore, #tpu.memory_space<semaphore_mem>>
      %dma_start3A_115 = arith.constant 0 : i32
      %dma_start3A_116 = tpu.memref_slice %arg5[%run_scoped3A, %dma_start3A_115] : memref<6x96xi32, #tpu.memory_space<vmem>> -> memref<1x96xi32, #tpu.memory_space<vmem>>
      %dma_start3A_117 = tpu.memref_squeeze %dma_start3A_116 : memref<1x96xi32, #tpu.memory_space<vmem>> -> memref<96xi32, #tpu.memory_space<vmem>>
      %dma_start3A_118 = tpu.memref_slice %arg3[%add3A_4] : memref<18432xi32, #tpu.memory_space<hbm>> -> memref<96xi32, #tpu.memory_space<hbm>>
      %dma_start3A_119 = arith.constant 0 : i32
      %dma_start3A_120 = tpu.memref_slice %arg5[%run_scoped3A, %dma_start3A_119] : memref<6x96xi32, #tpu.memory_space<vmem>> -> memref<1x96xi32, #tpu.memory_space<vmem>>
      %dma_start3A_121 = tpu.memref_squeeze %dma_start3A_120 : memref<1x96xi32, #tpu.memory_space<vmem>> -> memref<96xi32, #tpu.memory_space<vmem>>
      %dma_start3A_122 = tpu.memref_slice %arg3[%add3A_4] : memref<18432xi32, #tpu.memory_space<hbm>> -> memref<96xi32, #tpu.memory_space<hbm>>
      tpu.enqueue_dma source(%dma_start3A_122 : memref<96xi32, #tpu.memory_space<hbm>>) target(%dma_start3A_121 : memref<96xi32, #tpu.memory_space<vmem>>) target_semaphore(%run_scoped3A_114 : memref<!tpu.dma_semaphore, #tpu.memory_space<semaphore_mem>>)
      %dma_wait3A_123 = arith.constant 0 : i32
      %dma_wait3A_124 = tpu.memref_slice %arg5[%run_scoped3A, %dma_wait3A_123] : memref<6x96xi32, #tpu.memory_space<vmem>> -> memref<1x96xi32, #tpu.memory_space<vmem>>
      %dma_wait3A_125 = tpu.memref_squeeze %dma_wait3A_124 : memref<1x96xi32, #tpu.memory_space<vmem>> -> memref<96xi32, #tpu.memory_space<vmem>>
      %dma_wait3A_126 = tpu.memref_slice %arg3[%add3A_4] : memref<18432xi32, #tpu.memory_space<hbm>> -> memref<96xi32, #tpu.memory_space<hbm>>
      %dma_wait3A_127 = arith.constant 0 : i32
      %dma_wait3A_128 = tpu.memref_slice %arg5[%run_scoped3A, %dma_wait3A_127] : memref<6x96xi32, #tpu.memory_space<vmem>> -> memref<1x96xi32, #tpu.memory_space<vmem>>
      %dma_wait3A_129 = tpu.memref_squeeze %dma_wait3A_128 : memref<1x96xi32, #tpu.memory_space<vmem>> -> memref<96xi32, #tpu.memory_space<vmem>>
      %dma_wait3A_130 = tpu.memref_slice %arg3[%add3A_4] : memref<18432xi32, #tpu.memory_space<hbm>> -> memref<96xi32, #tpu.memory_space<hbm>>
      tpu.wait_dma2 semaphore(%run_scoped3A_114 : memref<!tpu.dma_semaphore, #tpu.memory_space<semaphore_mem>>) src(%dma_wait3A_130 : memref<96xi32, #tpu.memory_space<hbm>>) dst(%dma_wait3A_129 : memref<96xi32, #tpu.memory_space<vmem>>)
      tpu.yield
    }) : () -> ()
    %add3A_5 = arith.constant 96 : i32
    %add3A_6 = arith.addi %mul3A_2, %add3A_5 : i32
    %run_scoped3A_7 = arith.constant 1 : i32
    "tpu.region"() ({
      %run_scoped3A_114 = tpu.sem_alloc : memref<!tpu.dma_semaphore, #tpu.memory_space<semaphore_mem>>
      %dma_start3A_115 = arith.constant 0 : i32
      %dma_start3A_116 = tpu.memref_slice %arg5[%run_scoped3A_7, %dma_start3A_115] : memref<6x96xi32, #tpu.memory_space<vmem>> -> memref<1x96xi32, #tpu.memory_space<vmem>>
      %dma_start3A_117 = tpu.memref_squeeze %dma_start3A_116 : memref<1x96xi32, #tpu.memory_space<vmem>> -> memref<96xi32, #tpu.memory_space<vmem>>
      %dma_start3A_118 = tpu.memref_slice %arg3[%add3A_6] : memref<18432xi32, #tpu.memory_space<hbm>> -> memref<96xi32, #tpu.memory_space<hbm>>
      %dma_start3A_119 = arith.constant 0 : i32
      %dma_start3A_120 = tpu.memref_slice %arg5[%run_scoped3A_7, %dma_start3A_119] : memref<6x96xi32, #tpu.memory_space<vmem>> -> memref<1x96xi32, #tpu.memory_space<vmem>>
      %dma_start3A_121 = tpu.memref_squeeze %dma_start3A_120 : memref<1x96xi32, #tpu.memory_space<vmem>> -> memref<96xi32, #tpu.memory_space<vmem>>
      %dma_start3A_122 = tpu.memref_slice %arg3[%add3A_6] : memref<18432xi32, #tpu.memory_space<hbm>> -> memref<96xi32, #tpu.memory_space<hbm>>
      tpu.enqueue_dma source(%dma_start3A_122 : memref<96xi32, #tpu.memory_space<hbm>>) target(%dma_start3A_121 : memref<96xi32, #tpu.memory_space<vmem>>) target_semaphore(%run_scoped3A_114 : memref<!tpu.dma_semaphore, #tpu.memory_space<semaphore_mem>>)
      %dma_wait3A_123 = arith.constant 0 : i32
      %dma_wait3A_124 = tpu.memref_slice %arg5[%run_scoped3A_7, %dma_wait3A_123] : memref<6x96xi32, #tpu.memory_space<vmem>> -> memref<1x96xi32, #tpu.memory_space<vmem>>
      %dma_wait3A_125 = tpu.memref_squeeze %dma_wait3A_124 : memref<1x96xi32, #tpu.memory_space<vmem>> -> memref<96xi32, #tpu.memory_space<vmem>>
      %dma_wait3A_126 = tpu.memref_slice %arg3[%add3A_6] : memref<18432xi32, #tpu.memory_space<hbm>> -> memref<96xi32, #tpu.memory_space<hbm>>
      %dma_wait3A_127 = arith.constant 0 : i32
      %dma_wait3A_128 = tpu.memref_slice %arg5[%run_scoped3A_7, %dma_wait3A_127] : memref<6x96xi32, #tpu.memory_space<vmem>> -> memref<1x96xi32, #tpu.memory_space<vmem>>
      %dma_wait3A_129 = tpu.memref_squeeze %dma_wait3A_128 : memref<1x96xi32, #tpu.memory_space<vmem>> -> memref<96xi32, #tpu.memory_space<vmem>>
      %dma_wait3A_130 = tpu.memref_slice %arg3[%add3A_6] : memref<18432xi32, #tpu.memory_space<hbm>> -> memref<96xi32, #tpu.memory_space<hbm>>
      tpu.wait_dma2 semaphore(%run_scoped3A_114 : memref<!tpu.dma_semaphore, #tpu.memory_space<semaphore_mem>>) src(%dma_wait3A_130 : memref<96xi32, #tpu.memory_space<hbm>>) dst(%dma_wait3A_129 : memref<96xi32, #tpu.memory_space<vmem>>)
      tpu.yield
    }) : () -> ()
    %add3A_8 = arith.constant 192 : i32
    %add3A_9 = arith.addi %mul3A_2, %add3A_8 : i32
    %run_scoped3A_10 = arith.constant 2 : i32
    "tpu.region"() ({
      %run_scoped3A_114 = tpu.sem_alloc : memref<!tpu.dma_semaphore, #tpu.memory_space<semaphore_mem>>
      %dma_start3A_115 = arith.constant 0 : i32
      %dma_start3A_116 = tpu.memref_slice %arg5[%run_scoped3A_10, %dma_start3A_115] : memref<6x96xi32, #tpu.memory_space<vmem>> -> memref<1x96xi32, #tpu.memory_space<vmem>>
      %dma_start3A_117 = tpu.memref_squeeze %dma_start3A_116 : memref<1x96xi32, #tpu.memory_space<vmem>> -> memref<96xi32, #tpu.memory_space<vmem>>
      %dma_start3A_118 = tpu.memref_slice %arg3[%add3A_9] : memref<18432xi32, #tpu.memory_space<hbm>> -> memref<96xi32, #tpu.memory_space<hbm>>
      %dma_start3A_119 = arith.constant 0 : i32
      %dma_start3A_120 = tpu.memref_slice %arg5[%run_scoped3A_10, %dma_start3A_119] : memref<6x96xi32, #tpu.memory_space<vmem>> -> memref<1x96xi32, #tpu.memory_space<vmem>>
      %dma_start3A_121 = tpu.memref_squeeze %dma_start3A_120 : memref<1x96xi32, #tpu.memory_space<vmem>> -> memref<96xi32, #tpu.memory_space<vmem>>
      %dma_start3A_122 = tpu.memref_slice %arg3[%add3A_9] : memref<18432xi32, #tpu.memory_space<hbm>> -> memref<96xi32, #tpu.memory_space<hbm>>
      tpu.enqueue_dma source(%dma_start3A_122 : memref<96xi32, #tpu.memory_space<hbm>>) target(%dma_start3A_121 : memref<96xi32, #tpu.memory_space<vmem>>) target_semaphore(%run_scoped3A_114 : memref<!tpu.dma_semaphore, #tpu.memory_space<semaphore_mem>>)
      %dma_wait3A_123 = arith.constant 0 : i32
      %dma_wait3A_124 = tpu.memref_slice %arg5[%run_scoped3A_10, %dma_wait3A_123] : memref<6x96xi32, #tpu.memory_space<vmem>> -> memref<1x96xi32, #tpu.memory_space<vmem>>
      %dma_wait3A_125 = tpu.memref_squeeze %dma_wait3A_124 : memref<1x96xi32, #tpu.memory_space<vmem>> -> memref<96xi32, #tpu.memory_space<vmem>>
      %dma_wait3A_126 = tpu.memref_slice %arg3[%add3A_9] : memref<18432xi32, #tpu.memory_space<hbm>> -> memref<96xi32, #tpu.memory_space<hbm>>
      %dma_wait3A_127 = arith.constant 0 : i32
      %dma_wait3A_128 = tpu.memref_slice %arg5[%run_scoped3A_10, %dma_wait3A_127] : memref<6x96xi32, #tpu.memory_space<vmem>> -> memref<1x96xi32, #tpu.memory_space<vmem>>
      %dma_wait3A_129 = tpu.memref_squeeze %dma_wait3A_128 : memref<1x96xi32, #tpu.memory_space<vmem>> -> memref<96xi32, #tpu.memory_space<vmem>>
      %dma_wait3A_130 = tpu.memref_slice %arg3[%add3A_9] : memref<18432xi32, #tpu.memory_space<hbm>> -> memref<96xi32, #tpu.memory_space<hbm>>
      tpu.wait_dma2 semaphore(%run_scoped3A_114 : memref<!tpu.dma_semaphore, #tpu.memory_space<semaphore_mem>>) src(%dma_wait3A_130 : memref<96xi32, #tpu.memory_space<hbm>>) dst(%dma_wait3A_129 : memref<96xi32, #tpu.memory_space<vmem>>)
      tpu.yield
    }) : () -> ()
    %add3A_11 = arith.constant 288 : i32
    %add3A_12 = arith.addi %mul3A_2, %add3A_11 : i32
    %run_scoped3A_13 = arith.constant 3 : i32
    "tpu.region"() ({
      %run_scoped3A_114 = tpu.sem_alloc : memref<!tpu.dma_semaphore, #tpu.memory_space<semaphore_mem>>
      %dma_start3A_115 = arith.constant 0 : i32
      %dma_start3A_116 = tpu.memref_slice %arg5[%run_scoped3A_13, %dma_start3A_115] : memref<6x96xi32, #tpu.memory_space<vmem>> -> memref<1x96xi32, #tpu.memory_space<vmem>>
      %dma_start3A_117 = tpu.memref_squeeze %dma_start3A_116 : memref<1x96xi32, #tpu.memory_space<vmem>> -> memref<96xi32, #tpu.memory_space<vmem>>
      %dma_start3A_118 = tpu.memref_slice %arg3[%add3A_12] : memref<18432xi32, #tpu.memory_space<hbm>> -> memref<96xi32, #tpu.memory_space<hbm>>
      %dma_start3A_119 = arith.constant 0 : i32
      %dma_start3A_120 = tpu.memref_slice %arg5[%run_scoped3A_13, %dma_start3A_119] : memref<6x96xi32, #tpu.memory_space<vmem>> -> memref<1x96xi32, #tpu.memory_space<vmem>>
      %dma_start3A_121 = tpu.memref_squeeze %dma_start3A_120 : memref<1x96xi32, #tpu.memory_space<vmem>> -> memref<96xi32, #tpu.memory_space<vmem>>
      %dma_start3A_122 = tpu.memref_slice %arg3[%add3A_12] : memref<18432xi32, #tpu.memory_space<hbm>> -> memref<96xi32, #tpu.memory_space<hbm>>
      tpu.enqueue_dma source(%dma_start3A_122 : memref<96xi32, #tpu.memory_space<hbm>>) target(%dma_start3A_121 : memref<96xi32, #tpu.memory_space<vmem>>) target_semaphore(%run_scoped3A_114 : memref<!tpu.dma_semaphore, #tpu.memory_space<semaphore_mem>>)
      %dma_wait3A_123 = arith.constant 0 : i32
      %dma_wait3A_124 = tpu.memref_slice %arg5[%run_scoped3A_13, %dma_wait3A_123] : memref<6x96xi32, #tpu.memory_space<vmem>> -> memref<1x96xi32, #tpu.memory_space<vmem>>
      %dma_wait3A_125 = tpu.memref_squeeze %dma_wait3A_124 : memref<1x96xi32, #tpu.memory_space<vmem>> -> memref<96xi32, #tpu.memory_space<vmem>>
      %dma_wait3A_126 = tpu.memref_slice %arg3[%add3A_12] : memref<18432xi32, #tpu.memory_space<hbm>> -> memref<96xi32, #tpu.memory_space<hbm>>
      %dma_wait3A_127 = arith.constant 0 : i32
      %dma_wait3A_128 = tpu.memref_slice %arg5[%run_scoped3A_13, %dma_wait3A_127] : memref<6x96xi32, #tpu.memory_space<vmem>> -> memref<1x96xi32, #tpu.memory_space<vmem>>
      %dma_wait3A_129 = tpu.memref_squeeze %dma_wait3A_128 : memref<1x96xi32, #tpu.memory_space<vmem>> -> memref<96xi32, #tpu.memory_space<vmem>>
      %dma_wait3A_130 = tpu.memref_slice %arg3[%add3A_12] : memref<18432xi32, #tpu.memory_space<hbm>> -> memref<96xi32, #tpu.memory_space<hbm>>
      tpu.wait_dma2 semaphore(%run_scoped3A_114 : memref<!tpu.dma_semaphore, #tpu.memory_space<semaphore_mem>>) src(%dma_wait3A_130 : memref<96xi32, #tpu.memory_space<hbm>>) dst(%dma_wait3A_129 : memref<96xi32, #tpu.memory_space<vmem>>)
      tpu.yield
    }) : () -> ()
    %add3A_14 = arith.constant 384 : i32
    %add3A_15 = arith.addi %mul3A_2, %add3A_14 : i32
    %run_scoped3A_16 = arith.constant 4 : i32
    "tpu.region"() ({
      %run_scoped3A_114 = tpu.sem_alloc : memref<!tpu.dma_semaphore, #tpu.memory_space<semaphore_mem>>
      %dma_start3A_115 = arith.constant 0 : i32
      %dma_start3A_116 = tpu.memref_slice %arg5[%run_scoped3A_16, %dma_start3A_115] : memref<6x96xi32, #tpu.memory_space<vmem>> -> memref<1x96xi32, #tpu.memory_space<vmem>>
      %dma_start3A_117 = tpu.memref_squeeze %dma_start3A_116 : memref<1x96xi32, #tpu.memory_space<vmem>> -> memref<96xi32, #tpu.memory_space<vmem>>
      %dma_start3A_118 = tpu.memref_slice %arg3[%add3A_15] : memref<18432xi32, #tpu.memory_space<hbm>> -> memref<96xi32, #tpu.memory_space<hbm>>
      %dma_start3A_119 = arith.constant 0 : i32
      %dma_start3A_120 = tpu.memref_slice %arg5[%run_scoped3A_16, %dma_start3A_119] : memref<6x96xi32, #tpu.memory_space<vmem>> -> memref<1x96xi32, #tpu.memory_space<vmem>>
      %dma_start3A_121 = tpu.memref_squeeze %dma_start3A_120 : memref<1x96xi32, #tpu.memory_space<vmem>> -> memref<96xi32, #tpu.memory_space<vmem>>
      %dma_start3A_122 = tpu.memref_slice %arg3[%add3A_15] : memref<18432xi32, #tpu.memory_space<hbm>> -> memref<96xi32, #tpu.memory_space<hbm>>
      tpu.enqueue_dma source(%dma_start3A_122 : memref<96xi32, #tpu.memory_space<hbm>>) target(%dma_start3A_121 : memref<96xi32, #tpu.memory_space<vmem>>) target_semaphore(%run_scoped3A_114 : memref<!tpu.dma_semaphore, #tpu.memory_space<semaphore_mem>>)
      %dma_wait3A_123 = arith.constant 0 : i32
      %dma_wait3A_124 = tpu.memref_slice %arg5[%run_scoped3A_16, %dma_wait3A_123] : memref<6x96xi32, #tpu.memory_space<vmem>> -> memref<1x96xi32, #tpu.memory_space<vmem>>
      %dma_wait3A_125 = tpu.memref_squeeze %dma_wait3A_124 : memref<1x96xi32, #tpu.memory_space<vmem>> -> memref<96xi32, #tpu.memory_space<vmem>>
      %dma_wait3A_126 = tpu.memref_slice %arg3[%add3A_15] : memref<18432xi32, #tpu.memory_space<hbm>> -> memref<96xi32, #tpu.memory_space<hbm>>
      %dma_wait3A_127 = arith.constant 0 : i32
      %dma_wait3A_128 = tpu.memref_slice %arg5[%run_scoped3A_16, %dma_wait3A_127] : memref<6x96xi32, #tpu.memory_space<vmem>> -> memref<1x96xi32, #tpu.memory_space<vmem>>
      %dma_wait3A_129 = tpu.memref_squeeze %dma_wait3A_128 : memref<1x96xi32, #tpu.memory_space<vmem>> -> memref<96xi32, #tpu.memory_space<vmem>>
      %dma_wait3A_130 = tpu.memref_slice %arg3[%add3A_15] : memref<18432xi32, #tpu.memory_space<hbm>> -> memref<96xi32, #tpu.memory_space<hbm>>
      tpu.wait_dma2 semaphore(%run_scoped3A_114 : memref<!tpu.dma_semaphore, #tpu.memory_space<semaphore_mem>>) src(%dma_wait3A_130 : memref<96xi32, #tpu.memory_space<hbm>>) dst(%dma_wait3A_129 : memref<96xi32, #tpu.memory_space<vmem>>)
      tpu.yield
    }) : () -> ()
    %add3A_17 = arith.constant 480 : i32
    %add3A_18 = arith.addi %mul3A_2, %add3A_17 : i32
    %run_scoped3A_19 = arith.constant 5 : i32
    "tpu.region"() ({
      %run_scoped3A_114 = tpu.sem_alloc : memref<!tpu.dma_semaphore, #tpu.memory_space<semaphore_mem>>
      %dma_start3A_115 = arith.constant 0 : i32
      %dma_start3A_116 = tpu.memref_slice %arg5[%run_scoped3A_19, %dma_start3A_115] : memref<6x96xi32, #tpu.memory_space<vmem>> -> memref<1x96xi32, #tpu.memory_space<vmem>>
      %dma_start3A_117 = tpu.memref_squeeze %dma_start3A_116 : memref<1x96xi32, #tpu.memory_space<vmem>> -> memref<96xi32, #tpu.memory_space<vmem>>
      %dma_start3A_118 = tpu.memref_slice %arg3[%add3A_18] : memref<18432xi32, #tpu.memory_space<hbm>> -> memref<96xi32, #tpu.memory_space<hbm>>
      %dma_start3A_119 = arith.constant 0 : i32
      %dma_start3A_120 = tpu.memref_slice %arg5[%run_scoped3A_19, %dma_start3A_119] : memref<6x96xi32, #tpu.memory_space<vmem>> -> memref<1x96xi32, #tpu.memory_space<vmem>>
      %dma_start3A_121 = tpu.memref_squeeze %dma_start3A_120 : memref<1x96xi32, #tpu.memory_space<vmem>> -> memref<96xi32, #tpu.memory_space<vmem>>
      %dma_start3A_122 = tpu.memref_slice %arg3[%add3A_18] : memref<18432xi32, #tpu.memory_space<hbm>> -> memref<96xi32, #tpu.memory_space<hbm>>
      tpu.enqueue_dma source(%dma_start3A_122 : memref<96xi32, #tpu.memory_space<hbm>>) target(%dma_start3A_121 : memref<96xi32, #tpu.memory_space<vmem>>) target_semaphore(%run_scoped3A_114 : memref<!tpu.dma_semaphore, #tpu.memory_space<semaphore_mem>>)
      %dma_wait3A_123 = arith.constant 0 : i32
      %dma_wait3A_124 = tpu.memref_slice %arg5[%run_scoped3A_19, %dma_wait3A_123] : memref<6x96xi32, #tpu.memory_space<vmem>> -> memref<1x96xi32, #tpu.memory_space<vmem>>
      %dma_wait3A_125 = tpu.memref_squeeze %dma_wait3A_124 : memref<1x96xi32, #tpu.memory_space<vmem>> -> memref<96xi32, #tpu.memory_space<vmem>>
      %dma_wait3A_126 = tpu.memref_slice %arg3[%add3A_18] : memref<18432xi32, #tpu.memory_space<hbm>> -> memref<96xi32, #tpu.memory_space<hbm>>
      %dma_wait3A_127 = arith.constant 0 : i32
      %dma_wait3A_128 = tpu.memref_slice %arg5[%run_scoped3A_19, %dma_wait3A_127] : memref<6x96xi32, #tpu.memory_space<vmem>> -> memref<1x96xi32, #tpu.memory_space<vmem>>
      %dma_wait3A_129 = tpu.memref_squeeze %dma_wait3A_128 : memref<1x96xi32, #tpu.memory_space<vmem>> -> memref<96xi32, #tpu.memory_space<vmem>>
      %dma_wait3A_130 = tpu.memref_slice %arg3[%add3A_18] : memref<18432xi32, #tpu.memory_space<hbm>> -> memref<96xi32, #tpu.memory_space<hbm>>
      tpu.wait_dma2 semaphore(%run_scoped3A_114 : memref<!tpu.dma_semaphore, #tpu.memory_space<semaphore_mem>>) src(%dma_wait3A_130 : memref<96xi32, #tpu.memory_space<hbm>>) dst(%dma_wait3A_129 : memref<96xi32, #tpu.memory_space<vmem>>)
      tpu.yield
    }) : () -> ()
    %dma_start3A = arith.constant 0 : i32
    %dma_start3A_20 = arith.constant 0 : i32
    %dma_start3A_21 = tpu.memref_slice %arg5[%dma_start3A, %dma_start3A_20] : memref<6x96xi32, #tpu.memory_space<vmem>> -> memref<1x96xi32, #tpu.memory_space<vmem>>
    %dma_start3A_22 = tpu.memref_squeeze %dma_start3A_21 : memref<1x96xi32, #tpu.memory_space<vmem>> -> memref<96xi32, #tpu.memory_space<vmem>>
    %dma_start3A_23 = arith.constant 0 : i32
    %dma_start3A_24 = arith.constant 0 : i32
    %dma_start3A_25 = tpu.memref_slice %arg2[%dma_start3A_23, %dma_start3A_24] : memref<8192x256xf32, #tpu.memory_space<hbm>> -> memref<8192x256xf32, #tpu.memory_space<hbm>>
    tpu.enqueue_indirect_dma source(%dma_start3A_25 : memref<8192x256xf32, #tpu.memory_space<hbm>>) target(%arg6 : memref<96x256xf32, #tpu.memory_space<vmem>>) offsets(%dma_start3A_22 : memref<96xi32, #tpu.memory_space<vmem>>) semaphore(%arg7 : memref<!tpu.dma_semaphore, #tpu.memory_space<semaphore_mem>>)
    %dma_wait3A = arith.constant 0 : i32
    %dma_wait3A_26 = arith.constant 0 : i32
    %dma_wait3A_27 = tpu.memref_slice %arg5[%dma_wait3A, %dma_wait3A_26] : memref<6x96xi32, #tpu.memory_space<vmem>> -> memref<1x96xi32, #tpu.memory_space<vmem>>
    %dma_wait3A_28 = tpu.memref_squeeze %dma_wait3A_27 : memref<1x96xi32, #tpu.memory_space<vmem>> -> memref<96xi32, #tpu.memory_space<vmem>>
    %dma_wait3A_29 = arith.constant 0 : i32
    %dma_wait3A_30 = arith.constant 0 : i32
    %dma_wait3A_31 = tpu.memref_slice %arg2[%dma_wait3A_29, %dma_wait3A_30] : memref<8192x256xf32, #tpu.memory_space<hbm>> -> memref<8192x256xf32, #tpu.memory_space<hbm>>
    tpu.wait_indirect_dma semaphore(%arg7 : memref<!tpu.dma_semaphore, #tpu.memory_space<semaphore_mem>>) src(%dma_wait3A_31 : memref<8192x256xf32, #tpu.memory_space<hbm>>) dst(%arg6 : memref<96x256xf32, #tpu.memory_space<vmem>>)
    %add3A_32 = arith.constant 0 : i32
    %add3A_33 = arith.addi %mul3A_2, %add3A_32 : i32
    "tpu.region"() ({
      %run_scoped3A_114 = tpu.sem_alloc : memref<!tpu.dma_semaphore, #tpu.memory_space<semaphore_mem>>
      %dma_start3A_115 = arith.constant 0 : i32
      %dma_start3A_116 = tpu.memref_slice %arg4[%add3A_33, %dma_start3A_115] : memref<18432x256xf32, #tpu.memory_space<hbm>> -> memref<96x256xf32, #tpu.memory_space<hbm>>
      %dma_start3A_117 = arith.constant 0 : i32
      %dma_start3A_118 = tpu.memref_slice %arg4[%add3A_33, %dma_start3A_117] : memref<18432x256xf32, #tpu.memory_space<hbm>> -> memref<96x256xf32, #tpu.memory_space<hbm>>
      tpu.enqueue_dma source(%arg6 : memref<96x256xf32, #tpu.memory_space<vmem>>) target(%dma_start3A_118 : memref<96x256xf32, #tpu.memory_space<hbm>>) target_semaphore(%run_scoped3A_114 : memref<!tpu.dma_semaphore, #tpu.memory_space<semaphore_mem>>)
      %dma_wait3A_119 = arith.constant 0 : i32
      %dma_wait3A_120 = tpu.memref_slice %arg4[%add3A_33, %dma_wait3A_119] : memref<18432x256xf32, #tpu.memory_space<hbm>> -> memref<96x256xf32, #tpu.memory_space<hbm>>
      %dma_wait3A_121 = arith.constant 0 : i32
      %dma_wait3A_122 = tpu.memref_slice %arg4[%add3A_33, %dma_wait3A_121] : memref<18432x256xf32, #tpu.memory_space<hbm>> -> memref<96x256xf32, #tpu.memory_space<hbm>>
      tpu.wait_dma2 semaphore(%run_scoped3A_114 : memref<!tpu.dma_semaphore, #tpu.memory_space<semaphore_mem>>) src(%arg6 : memref<96x256xf32, #tpu.memory_space<vmem>>) dst(%dma_wait3A_122 : memref<96x256xf32, #tpu.memory_space<hbm>>)
      tpu.yield
    }) : () -> ()
    %dma_start3A_34 = arith.constant 1 : i32
    %dma_start3A_35 = arith.constant 0 : i32
    %dma_start3A_36 = tpu.memref_slice %arg5[%dma_start3A_34, %dma_start3A_35] : memref<6x96xi32, #tpu.memory_space<vmem>> -> memref<1x96xi32, #tpu.memory_space<vmem>>
    %dma_start3A_37 = tpu.memref_squeeze %dma_start3A_36 : memref<1x96xi32, #tpu.memory_space<vmem>> -> memref<96xi32, #tpu.memory_space<vmem>>
    %dma_start3A_38 = arith.constant 0 : i32
    %dma_start3A_39 = arith.constant 0 : i32
    %dma_start3A_40 = tpu.memref_slice %arg2[%dma_start3A_38, %dma_start3A_39] : memref<8192x256xf32, #tpu.memory_space<hbm>> -> memref<8192x256xf32, #tpu.memory_space<hbm>>
    tpu.enqueue_indirect_dma source(%dma_start3A_40 : memref<8192x256xf32, #tpu.memory_space<hbm>>) target(%arg6 : memref<96x256xf32, #tpu.memory_space<vmem>>) offsets(%dma_start3A_37 : memref<96xi32, #tpu.memory_space<vmem>>) semaphore(%arg7 : memref<!tpu.dma_semaphore, #tpu.memory_space<semaphore_mem>>)
    %dma_wait3A_41 = arith.constant 1 : i32
    %dma_wait3A_42 = arith.constant 0 : i32
    %dma_wait3A_43 = tpu.memref_slice %arg5[%dma_wait3A_41, %dma_wait3A_42] : memref<6x96xi32, #tpu.memory_space<vmem>> -> memref<1x96xi32, #tpu.memory_space<vmem>>
    %dma_wait3A_44 = tpu.memref_squeeze %dma_wait3A_43 : memref<1x96xi32, #tpu.memory_space<vmem>> -> memref<96xi32, #tpu.memory_space<vmem>>
    %dma_wait3A_45 = arith.constant 0 : i32
    %dma_wait3A_46 = arith.constant 0 : i32
    %dma_wait3A_47 = tpu.memref_slice %arg2[%dma_wait3A_45, %dma_wait3A_46] : memref<8192x256xf32, #tpu.memory_space<hbm>> -> memref<8192x256xf32, #tpu.memory_space<hbm>>
    tpu.wait_indirect_dma semaphore(%arg7 : memref<!tpu.dma_semaphore, #tpu.memory_space<semaphore_mem>>) src(%dma_wait3A_47 : memref<8192x256xf32, #tpu.memory_space<hbm>>) dst(%arg6 : memref<96x256xf32, #tpu.memory_space<vmem>>)
    %add3A_48 = arith.constant 96 : i32
    %add3A_49 = arith.addi %mul3A_2, %add3A_48 : i32
    "tpu.region"() ({
      %run_scoped3A_114 = tpu.sem_alloc : memref<!tpu.dma_semaphore, #tpu.memory_space<semaphore_mem>>
      %dma_start3A_115 = arith.constant 0 : i32
      %dma_start3A_116 = tpu.memref_slice %arg4[%add3A_49, %dma_start3A_115] : memref<18432x256xf32, #tpu.memory_space<hbm>> -> memref<96x256xf32, #tpu.memory_space<hbm>>
      %dma_start3A_117 = arith.constant 0 : i32
      %dma_start3A_118 = tpu.memref_slice %arg4[%add3A_49, %dma_start3A_117] : memref<18432x256xf32, #tpu.memory_space<hbm>> -> memref<96x256xf32, #tpu.memory_space<hbm>>
      tpu.enqueue_dma source(%arg6 : memref<96x256xf32, #tpu.memory_space<vmem>>) target(%dma_start3A_118 : memref<96x256xf32, #tpu.memory_space<hbm>>) target_semaphore(%run_scoped3A_114 : memref<!tpu.dma_semaphore, #tpu.memory_space<semaphore_mem>>)
      %dma_wait3A_119 = arith.constant 0 : i32
      %dma_wait3A_120 = tpu.memref_slice %arg4[%add3A_49, %dma_wait3A_119] : memref<18432x256xf32, #tpu.memory_space<hbm>> -> memref<96x256xf32, #tpu.memory_space<hbm>>
      %dma_wait3A_121 = arith.constant 0 : i32
      %dma_wait3A_122 = tpu.memref_slice %arg4[%add3A_49, %dma_wait3A_121] : memref<18432x256xf32, #tpu.memory_space<hbm>> -> memref<96x256xf32, #tpu.memory_space<hbm>>
      tpu.wait_dma2 semaphore(%run_scoped3A_114 : memref<!tpu.dma_semaphore, #tpu.memory_space<semaphore_mem>>) src(%arg6 : memref<96x256xf32, #tpu.memory_space<vmem>>) dst(%dma_wait3A_122 : memref<96x256xf32, #tpu.memory_space<hbm>>)
      tpu.yield
    }) : () -> ()
    %dma_start3A_50 = arith.constant 2 : i32
    %dma_start3A_51 = arith.constant 0 : i32
    %dma_start3A_52 = tpu.memref_slice %arg5[%dma_start3A_50, %dma_start3A_51] : memref<6x96xi32, #tpu.memory_space<vmem>> -> memref<1x96xi32, #tpu.memory_space<vmem>>
    %dma_start3A_53 = tpu.memref_squeeze %dma_start3A_52 : memref<1x96xi32, #tpu.memory_space<vmem>> -> memref<96xi32, #tpu.memory_space<vmem>>
    %dma_start3A_54 = arith.constant 0 : i32
    %dma_start3A_55 = arith.constant 0 : i32
    %dma_start3A_56 = tpu.memref_slice %arg2[%dma_start3A_54, %dma_start3A_55] : memref<8192x256xf32, #tpu.memory_space<hbm>> -> memref<8192x256xf32, #tpu.memory_space<hbm>>
    tpu.enqueue_indirect_dma source(%dma_start3A_56 : memref<8192x256xf32, #tpu.memory_space<hbm>>) target(%arg6 : memref<96x256xf32, #tpu.memory_space<vmem>>) offsets(%dma_start3A_53 : memref<96xi32, #tpu.memory_space<vmem>>) semaphore(%arg7 : memref<!tpu.dma_semaphore, #tpu.memory_space<semaphore_mem>>)
    %dma_wait3A_57 = arith.constant 2 : i32
    %dma_wait3A_58 = arith.constant 0 : i32
    %dma_wait3A_59 = tpu.memref_slice %arg5[%dma_wait3A_57, %dma_wait3A_58] : memref<6x96xi32, #tpu.memory_space<vmem>> -> memref<1x96xi32, #tpu.memory_space<vmem>>
    %dma_wait3A_60 = tpu.memref_squeeze %dma_wait3A_59 : memref<1x96xi32, #tpu.memory_space<vmem>> -> memref<96xi32, #tpu.memory_space<vmem>>
    %dma_wait3A_61 = arith.constant 0 : i32
    %dma_wait3A_62 = arith.constant 0 : i32
    %dma_wait3A_63 = tpu.memref_slice %arg2[%dma_wait3A_61, %dma_wait3A_62] : memref<8192x256xf32, #tpu.memory_space<hbm>> -> memref<8192x256xf32, #tpu.memory_space<hbm>>
    tpu.wait_indirect_dma semaphore(%arg7 : memref<!tpu.dma_semaphore, #tpu.memory_space<semaphore_mem>>) src(%dma_wait3A_63 : memref<8192x256xf32, #tpu.memory_space<hbm>>) dst(%arg6 : memref<96x256xf32, #tpu.memory_space<vmem>>)
    %add3A_64 = arith.constant 192 : i32
    %add3A_65 = arith.addi %mul3A_2, %add3A_64 : i32
    "tpu.region"() ({
      %run_scoped3A_114 = tpu.sem_alloc : memref<!tpu.dma_semaphore, #tpu.memory_space<semaphore_mem>>
      %dma_start3A_115 = arith.constant 0 : i32
      %dma_start3A_116 = tpu.memref_slice %arg4[%add3A_65, %dma_start3A_115] : memref<18432x256xf32, #tpu.memory_space<hbm>> -> memref<96x256xf32, #tpu.memory_space<hbm>>
      %dma_start3A_117 = arith.constant 0 : i32
      %dma_start3A_118 = tpu.memref_slice %arg4[%add3A_65, %dma_start3A_117] : memref<18432x256xf32, #tpu.memory_space<hbm>> -> memref<96x256xf32, #tpu.memory_space<hbm>>
      tpu.enqueue_dma source(%arg6 : memref<96x256xf32, #tpu.memory_space<vmem>>) target(%dma_start3A_118 : memref<96x256xf32, #tpu.memory_space<hbm>>) target_semaphore(%run_scoped3A_114 : memref<!tpu.dma_semaphore, #tpu.memory_space<semaphore_mem>>)
      %dma_wait3A_119 = arith.constant 0 : i32
      %dma_wait3A_120 = tpu.memref_slice %arg4[%add3A_65, %dma_wait3A_119] : memref<18432x256xf32, #tpu.memory_space<hbm>> -> memref<96x256xf32, #tpu.memory_space<hbm>>
      %dma_wait3A_121 = arith.constant 0 : i32
      %dma_wait3A_122 = tpu.memref_slice %arg4[%add3A_65, %dma_wait3A_121] : memref<18432x256xf32, #tpu.memory_space<hbm>> -> memref<96x256xf32, #tpu.memory_space<hbm>>
      tpu.wait_dma2 semaphore(%run_scoped3A_114 : memref<!tpu.dma_semaphore, #tpu.memory_space<semaphore_mem>>) src(%arg6 : memref<96x256xf32, #tpu.memory_space<vmem>>) dst(%dma_wait3A_122 : memref<96x256xf32, #tpu.memory_space<hbm>>)
      tpu.yield
    }) : () -> ()
    %dma_start3A_66 = arith.constant 3 : i32
    %dma_start3A_67 = arith.constant 0 : i32
    %dma_start3A_68 = tpu.memref_slice %arg5[%dma_start3A_66, %dma_start3A_67] : memref<6x96xi32, #tpu.memory_space<vmem>> -> memref<1x96xi32, #tpu.memory_space<vmem>>
    %dma_start3A_69 = tpu.memref_squeeze %dma_start3A_68 : memref<1x96xi32, #tpu.memory_space<vmem>> -> memref<96xi32, #tpu.memory_space<vmem>>
    %dma_start3A_70 = arith.constant 0 : i32
    %dma_start3A_71 = arith.constant 0 : i32
    %dma_start3A_72 = tpu.memref_slice %arg2[%dma_start3A_70, %dma_start3A_71] : memref<8192x256xf32, #tpu.memory_space<hbm>> -> memref<8192x256xf32, #tpu.memory_space<hbm>>
    tpu.enqueue_indirect_dma source(%dma_start3A_72 : memref<8192x256xf32, #tpu.memory_space<hbm>>) target(%arg6 : memref<96x256xf32, #tpu.memory_space<vmem>>) offsets(%dma_start3A_69 : memref<96xi32, #tpu.memory_space<vmem>>) semaphore(%arg7 : memref<!tpu.dma_semaphore, #tpu.memory_space<semaphore_mem>>)
    %dma_wait3A_73 = arith.constant 3 : i32
    %dma_wait3A_74 = arith.constant 0 : i32
    %dma_wait3A_75 = tpu.memref_slice %arg5[%dma_wait3A_73, %dma_wait3A_74] : memref<6x96xi32, #tpu.memory_space<vmem>> -> memref<1x96xi32, #tpu.memory_space<vmem>>
    %dma_wait3A_76 = tpu.memref_squeeze %dma_wait3A_75 : memref<1x96xi32, #tpu.memory_space<vmem>> -> memref<96xi32, #tpu.memory_space<vmem>>
    %dma_wait3A_77 = arith.constant 0 : i32
    %dma_wait3A_78 = arith.constant 0 : i32
    %dma_wait3A_79 = tpu.memref_slice %arg2[%dma_wait3A_77, %dma_wait3A_78] : memref<8192x256xf32, #tpu.memory_space<hbm>> -> memref<8192x256xf32, #tpu.memory_space<hbm>>
    tpu.wait_indirect_dma semaphore(%arg7 : memref<!tpu.dma_semaphore, #tpu.memory_space<semaphore_mem>>) src(%dma_wait3A_79 : memref<8192x256xf32, #tpu.memory_space<hbm>>) dst(%arg6 : memref<96x256xf32, #tpu.memory_space<vmem>>)
    %add3A_80 = arith.constant 288 : i32
    %add3A_81 = arith.addi %mul3A_2, %add3A_80 : i32
    "tpu.region"() ({
      %run_scoped3A_114 = tpu.sem_alloc : memref<!tpu.dma_semaphore, #tpu.memory_space<semaphore_mem>>
      %dma_start3A_115 = arith.constant 0 : i32
      %dma_start3A_116 = tpu.memref_slice %arg4[%add3A_81, %dma_start3A_115] : memref<18432x256xf32, #tpu.memory_space<hbm>> -> memref<96x256xf32, #tpu.memory_space<hbm>>
      %dma_start3A_117 = arith.constant 0 : i32
      %dma_start3A_118 = tpu.memref_slice %arg4[%add3A_81, %dma_start3A_117] : memref<18432x256xf32, #tpu.memory_space<hbm>> -> memref<96x256xf32, #tpu.memory_space<hbm>>
      tpu.enqueue_dma source(%arg6 : memref<96x256xf32, #tpu.memory_space<vmem>>) target(%dma_start3A_118 : memref<96x256xf32, #tpu.memory_space<hbm>>) target_semaphore(%run_scoped3A_114 : memref<!tpu.dma_semaphore, #tpu.memory_space<semaphore_mem>>)
      %dma_wait3A_119 = arith.constant 0 : i32
      %dma_wait3A_120 = tpu.memref_slice %arg4[%add3A_81, %dma_wait3A_119] : memref<18432x256xf32, #tpu.memory_space<hbm>> -> memref<96x256xf32, #tpu.memory_space<hbm>>
      %dma_wait3A_121 = arith.constant 0 : i32
      %dma_wait3A_122 = tpu.memref_slice %arg4[%add3A_81, %dma_wait3A_121] : memref<18432x256xf32, #tpu.memory_space<hbm>> -> memref<96x256xf32, #tpu.memory_space<hbm>>
      tpu.wait_dma2 semaphore(%run_scoped3A_114 : memref<!tpu.dma_semaphore, #tpu.memory_space<semaphore_mem>>) src(%arg6 : memref<96x256xf32, #tpu.memory_space<vmem>>) dst(%dma_wait3A_122 : memref<96x256xf32, #tpu.memory_space<hbm>>)
      tpu.yield
    }) : () -> ()
    %dma_start3A_82 = arith.constant 4 : i32
    %dma_start3A_83 = arith.constant 0 : i32
    %dma_start3A_84 = tpu.memref_slice %arg5[%dma_start3A_82, %dma_start3A_83] : memref<6x96xi32, #tpu.memory_space<vmem>> -> memref<1x96xi32, #tpu.memory_space<vmem>>
    %dma_start3A_85 = tpu.memref_squeeze %dma_start3A_84 : memref<1x96xi32, #tpu.memory_space<vmem>> -> memref<96xi32, #tpu.memory_space<vmem>>
    %dma_start3A_86 = arith.constant 0 : i32
    %dma_start3A_87 = arith.constant 0 : i32
    %dma_start3A_88 = tpu.memref_slice %arg2[%dma_start3A_86, %dma_start3A_87] : memref<8192x256xf32, #tpu.memory_space<hbm>> -> memref<8192x256xf32, #tpu.memory_space<hbm>>
    tpu.enqueue_indirect_dma source(%dma_start3A_88 : memref<8192x256xf32, #tpu.memory_space<hbm>>) target(%arg6 : memref<96x256xf32, #tpu.memory_space<vmem>>) offsets(%dma_start3A_85 : memref<96xi32, #tpu.memory_space<vmem>>) semaphore(%arg7 : memref<!tpu.dma_semaphore, #tpu.memory_space<semaphore_mem>>)
    %dma_wait3A_89 = arith.constant 4 : i32
    %dma_wait3A_90 = arith.constant 0 : i32
    %dma_wait3A_91 = tpu.memref_slice %arg5[%dma_wait3A_89, %dma_wait3A_90] : memref<6x96xi32, #tpu.memory_space<vmem>> -> memref<1x96xi32, #tpu.memory_space<vmem>>
    %dma_wait3A_92 = tpu.memref_squeeze %dma_wait3A_91 : memref<1x96xi32, #tpu.memory_space<vmem>> -> memref<96xi32, #tpu.memory_space<vmem>>
    %dma_wait3A_93 = arith.constant 0 : i32
    %dma_wait3A_94 = arith.constant 0 : i32
    %dma_wait3A_95 = tpu.memref_slice %arg2[%dma_wait3A_93, %dma_wait3A_94] : memref<8192x256xf32, #tpu.memory_space<hbm>> -> memref<8192x256xf32, #tpu.memory_space<hbm>>
    tpu.wait_indirect_dma semaphore(%arg7 : memref<!tpu.dma_semaphore, #tpu.memory_space<semaphore_mem>>) src(%dma_wait3A_95 : memref<8192x256xf32, #tpu.memory_space<hbm>>) dst(%arg6 : memref<96x256xf32, #tpu.memory_space<vmem>>)
    %add3A_96 = arith.constant 384 : i32
    %add3A_97 = arith.addi %mul3A_2, %add3A_96 : i32
    "tpu.region"() ({
      %run_scoped3A_114 = tpu.sem_alloc : memref<!tpu.dma_semaphore, #tpu.memory_space<semaphore_mem>>
      %dma_start3A_115 = arith.constant 0 : i32
      %dma_start3A_116 = tpu.memref_slice %arg4[%add3A_97, %dma_start3A_115] : memref<18432x256xf32, #tpu.memory_space<hbm>> -> memref<96x256xf32, #tpu.memory_space<hbm>>
      %dma_start3A_117 = arith.constant 0 : i32
      %dma_start3A_118 = tpu.memref_slice %arg4[%add3A_97, %dma_start3A_117] : memref<18432x256xf32, #tpu.memory_space<hbm>> -> memref<96x256xf32, #tpu.memory_space<hbm>>
      tpu.enqueue_dma source(%arg6 : memref<96x256xf32, #tpu.memory_space<vmem>>) target(%dma_start3A_118 : memref<96x256xf32, #tpu.memory_space<hbm>>) target_semaphore(%run_scoped3A_114 : memref<!tpu.dma_semaphore, #tpu.memory_space<semaphore_mem>>)
      %dma_wait3A_119 = arith.constant 0 : i32
      %dma_wait3A_120 = tpu.memref_slice %arg4[%add3A_97, %dma_wait3A_119] : memref<18432x256xf32, #tpu.memory_space<hbm>> -> memref<96x256xf32, #tpu.memory_space<hbm>>
      %dma_wait3A_121 = arith.constant 0 : i32
      %dma_wait3A_122 = tpu.memref_slice %arg4[%add3A_97, %dma_wait3A_121] : memref<18432x256xf32, #tpu.memory_space<hbm>> -> memref<96x256xf32, #tpu.memory_space<hbm>>
      tpu.wait_dma2 semaphore(%run_scoped3A_114 : memref<!tpu.dma_semaphore, #tpu.memory_space<semaphore_mem>>) src(%arg6 : memref<96x256xf32, #tpu.memory_space<vmem>>) dst(%dma_wait3A_122 : memref<96x256xf32, #tpu.memory_space<hbm>>)
      tpu.yield
    }) : () -> ()
    %dma_start3A_98 = arith.constant 5 : i32
    %dma_start3A_99 = arith.constant 0 : i32
    %dma_start3A_100 = tpu.memref_slice %arg5[%dma_start3A_98, %dma_start3A_99] : memref<6x96xi32, #tpu.memory_space<vmem>> -> memref<1x96xi32, #tpu.memory_space<vmem>>
    %dma_start3A_101 = tpu.memref_squeeze %dma_start3A_100 : memref<1x96xi32, #tpu.memory_space<vmem>> -> memref<96xi32, #tpu.memory_space<vmem>>
    %dma_start3A_102 = arith.constant 0 : i32
    %dma_start3A_103 = arith.constant 0 : i32
    %dma_start3A_104 = tpu.memref_slice %arg2[%dma_start3A_102, %dma_start3A_103] : memref<8192x256xf32, #tpu.memory_space<hbm>> -> memref<8192x256xf32, #tpu.memory_space<hbm>>
    tpu.enqueue_indirect_dma source(%dma_start3A_104 : memref<8192x256xf32, #tpu.memory_space<hbm>>) target(%arg6 : memref<96x256xf32, #tpu.memory_space<vmem>>) offsets(%dma_start3A_101 : memref<96xi32, #tpu.memory_space<vmem>>) semaphore(%arg7 : memref<!tpu.dma_semaphore, #tpu.memory_space<semaphore_mem>>)
    %dma_wait3A_105 = arith.constant 5 : i32
    %dma_wait3A_106 = arith.constant 0 : i32
    %dma_wait3A_107 = tpu.memref_slice %arg5[%dma_wait3A_105, %dma_wait3A_106] : memref<6x96xi32, #tpu.memory_space<vmem>> -> memref<1x96xi32, #tpu.memory_space<vmem>>
    %dma_wait3A_108 = tpu.memref_squeeze %dma_wait3A_107 : memref<1x96xi32, #tpu.memory_space<vmem>> -> memref<96xi32, #tpu.memory_space<vmem>>
    %dma_wait3A_109 = arith.constant 0 : i32
    %dma_wait3A_110 = arith.constant 0 : i32
    %dma_wait3A_111 = tpu.memref_slice %arg2[%dma_wait3A_109, %dma_wait3A_110] : memref<8192x256xf32, #tpu.memory_space<hbm>> -> memref<8192x256xf32, #tpu.memory_space<hbm>>
    tpu.wait_indirect_dma semaphore(%arg7 : memref<!tpu.dma_semaphore, #tpu.memory_space<semaphore_mem>>) src(%dma_wait3A_111 : memref<8192x256xf32, #tpu.memory_space<hbm>>) dst(%arg6 : memref<96x256xf32, #tpu.memory_space<vmem>>)
    %add3A_112 = arith.constant 480 : i32
    %add3A_113 = arith.addi %mul3A_2, %add3A_112 : i32
    "tpu.region"() ({
      %run_scoped3A_114 = tpu.sem_alloc : memref<!tpu.dma_semaphore, #tpu.memory_space<semaphore_mem>>
      %dma_start3A_115 = arith.constant 0 : i32
      %dma_start3A_116 = tpu.memref_slice %arg4[%add3A_113, %dma_start3A_115] : memref<18432x256xf32, #tpu.memory_space<hbm>> -> memref<96x256xf32, #tpu.memory_space<hbm>>
      %dma_start3A_117 = arith.constant 0 : i32
      %dma_start3A_118 = tpu.memref_slice %arg4[%add3A_113, %dma_start3A_117] : memref<18432x256xf32, #tpu.memory_space<hbm>> -> memref<96x256xf32, #tpu.memory_space<hbm>>
      tpu.enqueue_dma source(%arg6 : memref<96x256xf32, #tpu.memory_space<vmem>>) target(%dma_start3A_118 : memref<96x256xf32, #tpu.memory_space<hbm>>) target_semaphore(%run_scoped3A_114 : memref<!tpu.dma_semaphore, #tpu.memory_space<semaphore_mem>>)
      %dma_wait3A_119 = arith.constant 0 : i32
      %dma_wait3A_120 = tpu.memref_slice %arg4[%add3A_113, %dma_wait3A_119] : memref<18432x256xf32, #tpu.memory_space<hbm>> -> memref<96x256xf32, #tpu.memory_space<hbm>>
      %dma_wait3A_121 = arith.constant 0 : i32
      %dma_wait3A_122 = tpu.memref_slice %arg4[%add3A_113, %dma_wait3A_121] : memref<18432x256xf32, #tpu.memory_space<hbm>> -> memref<96x256xf32, #tpu.memory_space<hbm>>
      tpu.wait_dma2 semaphore(%run_scoped3A_114 : memref<!tpu.dma_semaphore, #tpu.memory_space<semaphore_mem>>) src(%arg6 : memref<96x256xf32, #tpu.memory_space<vmem>>) dst(%dma_wait3A_122 : memref<96x256xf32, #tpu.memory_space<hbm>>)
      tpu.yield
    }) : () -> ()
    return
  }
}

module attributes {stable_mosaic.version = 14 : i64} {
  func.func @_finish_body(%arg0: i32, %arg1: memref<256x256xf32, #tpu.memory_space<vmem>>, %arg2: memref<256x256xf32, #tpu.memory_space<vmem>>, %arg3: memref<256x256xf32, #tpu.memory_space<vmem>>, %arg4: memref<1x1xf32, #tpu.memory_space<smem>>, %arg5: memref<1x1xf32, #tpu.memory_space<smem>>) attributes {dimension_semantics = [#tpu.dimension_semantics<arbitrary>], iteration_bounds = array<i64: 72>, scalar_prefetch = 0 : i64, scratch_operands = 1 : i64, tpu.core_type = #tpu.core_type<tc>, window_params = [{transform_indices = @transform_0, window_bounds = array<i64: 256, 256>}, {transform_indices = @transform_1, window_bounds = array<i64: 256, 256>}, {transform_indices = @transform_2, window_bounds = array<i64: 256, 256>}, {transform_indices = @transform_3, window_bounds = array<i64: 1, 1>}]} {
    %get3A = arith.constant 0 : index
    %get3A_0 = arith.constant 0 : index
    %get3A_1 = vector.load %arg1[%get3A, %get3A_0] : memref<256x256xf32, #tpu.memory_space<vmem>>, vector<256x256xf32>
    %get3A_2 = arith.constant 0 : index
    %get3A_3 = arith.constant 0 : index
    %get3A_4 = vector.load %arg2[%get3A_2, %get3A_3] : memref<256x256xf32, #tpu.memory_space<vmem>>, vector<256x256xf32>
    %sub3A = arith.subf %get3A_4, %get3A_1 : vector<256x256xf32>
    %add3A = arith.addf %get3A_1, %sub3A : vector<256x256xf32>
    %swap3A = arith.constant 0 : index
    %swap3A_5 = arith.constant 0 : index
    %swap3A_6 = vector.load %arg3[%swap3A, %swap3A_5] : memref<256x256xf32, #tpu.memory_space<vmem>>, vector<256x256xf32>
    tpu.vector_store %arg3[%swap3A, %swap3A_5], %add3A {strides = array<i32>} : memref<256x256xf32, #tpu.memory_space<vmem>>, vector<256x256xf32>,
    %sub3A_7 = arith.subf %get3A_4, %get3A_1 : vector<256x256xf32>
    %mul3A = arith.mulf %sub3A_7, %sub3A_7 : vector<256x256xf32>
    %reduce_sum3A = vector.shape_cast %mul3A : vector<256x256xf32> to vector<1x256x256xf32>
    %reduce_sum3A_8 = arith.constant dense<0.000000e+00> : vector<1xf32>
    %reduce_sum3A_9 = vector.multi_reduction <add>, %reduce_sum3A, %reduce_sum3A_8 [1, 2] : vector<1x256x256xf32> to vector<1xf32>
    %reduce_sum3A_10 = vector.shape_cast %reduce_sum3A_9 : vector<1xf32> to vector<1x1x1xf32>
    %reduce_sum3A_11 = vector.extract %reduce_sum3A_10[0, 0, 0] : f32 from vector<1x1x1xf32>
    %eq3A = arith.constant 0 : i32
    %eq3A_12 = arith.cmpi eq, %arg0, %eq3A : i32
    %convert_element_type3A = arith.extui %eq3A_12 : i1 to i32
    %cond3A = arith.constant 0 : i32
    %cond3A_13 = arith.cmpi ne, %convert_element_type3A, %cond3A : i32
    scf.if %cond3A_13 {
      %swap3A_23 = arith.constant 0 : index
      %swap3A_24 = arith.constant 0 : index
      %swap3A_25 = memref.load %arg5[%swap3A_23, %swap3A_24] : memref<1x1xf32, #tpu.memory_space<smem>>
      memref.store %reduce_sum3A_11, %arg5[%swap3A_23, %swap3A_24] : memref<1x1xf32, #tpu.memory_space<smem>>
    } else {
    }
    %gt3A = arith.constant 0 : i32
    %gt3A_14 = arith.cmpi sgt, %arg0, %gt3A : i32
    %convert_element_type3A_15 = arith.extui %gt3A_14 : i1 to i32
    %cond3A_16 = arith.constant 0 : i32
    %cond3A_17 = arith.cmpi ne, %convert_element_type3A_15, %cond3A_16 : i32
    scf.if %cond3A_17 {
      %get3A_23 = arith.constant 0 : index
      %get3A_24 = arith.constant 0 : index
      %get3A_25 = memref.load %arg5[%get3A_23, %get3A_24] : memref<1x1xf32, #tpu.memory_space<smem>>
      %add3A_26 = arith.addf %get3A_25, %reduce_sum3A_11 : f32
      %swap3A_27 = arith.constant 0 : index
      %swap3A_28 = arith.constant 0 : index
      %swap3A_29 = memref.load %arg5[%swap3A_27, %swap3A_28] : memref<1x1xf32, #tpu.memory_space<smem>>
      memref.store %add3A_26, %arg5[%swap3A_27, %swap3A_28] : memref<1x1xf32, #tpu.memory_space<smem>>
    } else {
    }
    %eq3A_18 = arith.constant 71 : i32
    %eq3A_19 = arith.cmpi eq, %arg0, %eq3A_18 : i32
    %convert_element_type3A_20 = arith.extui %eq3A_19 : i1 to i32
    %cond3A_21 = arith.constant 0 : i32
    %cond3A_22 = arith.cmpi ne, %convert_element_type3A_20, %cond3A_21 : i32
    scf.if %cond3A_22 {
      %get3A_23 = arith.constant 0 : index
      %get3A_24 = arith.constant 0 : index
      %get3A_25 = memref.load %arg5[%get3A_23, %get3A_24] : memref<1x1xf32, #tpu.memory_space<smem>>
      %mul3A_26 = arith.constant 2.64909545E-7 : f32
      %mul3A_27 = arith.mulf %get3A_25, %mul3A_26 : f32
      %swap3A_28 = arith.constant 0 : index
      %swap3A_29 = arith.constant 0 : index
      %swap3A_30 = memref.load %arg4[%swap3A_28, %swap3A_29] : memref<1x1xf32, #tpu.memory_space<smem>>
      memref.store %mul3A_27, %arg4[%swap3A_28, %swap3A_29] : memref<1x1xf32, #tpu.memory_space<smem>>
    } else {
    }
    return
  }
  func.func @transform_0(%arg0: i32) -> (i32, i32) {
    %c0_i32 = arith.constant 0 : i32
    %c0_i32_0 = arith.constant 0 : i32
    return %arg0, %c0_i32 : i32, i32
  }
  func.func @transform_1(%arg0: i32) -> (i32, i32) {
    %c0_i32 = arith.constant 0 : i32
    %c0_i32_0 = arith.constant 0 : i32
    return %arg0, %c0_i32 : i32, i32
  }
  func.func @transform_2(%arg0: i32) -> (i32, i32) {
    %c0_i32 = arith.constant 0 : i32
    %c0_i32_0 = arith.constant 0 : i32
    return %arg0, %c0_i32 : i32, i32
  }
  func.func @transform_3(%arg0: i32) -> (i32, i32) {
    %c0_i32 = arith.constant 0 : i32
    %c0_i32_0 = arith.constant 0 : i32
    %c0_i32_1 = arith.constant 0 : i32
    return %c0_i32, %c0_i32_0 : i32, i32
  }
}

module attributes {stable_mosaic.version = 14 : i64} {
  func.func @_argmin_body(%arg0: i32, %arg1: memref<256x256xf32, #tpu.memory_space<vmem>>, %arg2: memref<8192x256xf32, #tpu.memory_space<vmem>>, %arg3: memref<1x1x256xi32, #tpu.memory_space<vmem>>, %arg4: memref<1x8192xf32, #tpu.memory_space<vmem>>) attributes {dimension_semantics = [#tpu.dimension_semantics<arbitrary>], iteration_bounds = array<i64: 72>, scalar_prefetch = 0 : i64, scratch_operands = 1 : i64, tpu.core_type = #tpu.core_type<tc>, window_params = [{transform_indices = @transform_0, window_bounds = array<i64: 256, 256>}, {pipeline_mode = #tpu.pipeline_mode<synchronous>, transform_indices = @transform_1, window_bounds = array<i64: 8192, 256>}, {transform_indices = @transform_2, window_bounds = array<i64: 1, 1, 256>}]} {
    %get3A = arith.constant 0 : index
    %get3A_0 = arith.constant 0 : index
    %get3A_1 = vector.load %arg2[%get3A, %get3A_0] : memref<8192x256xf32, #tpu.memory_space<vmem>>, vector<8192x256xf32>
    %eq3A = arith.constant 0 : i32
    %eq3A_2 = arith.cmpi eq, %arg0, %eq3A : i32
    %convert_element_type3A = arith.extui %eq3A_2 : i1 to i32
    %cond3A = arith.constant 0 : i32
    %cond3A_3 = arith.cmpi ne, %convert_element_type3A, %cond3A : i32
    scf.if %cond3A_3 {
      %mul3A_27 = arith.mulf %get3A_1, %get3A_1 : vector<8192x256xf32>
      %reduce_sum3A_28 = arith.constant dense<0.000000e+00> : vector<8192xf32>
      %reduce_sum3A_29 = vector.multi_reduction <add>, %mul3A_27, %reduce_sum3A_28 [1] : vector<8192x256xf32> to vector<8192xf32>
      %reshape3A_30 = vector.shape_cast %reduce_sum3A_29 : vector<8192xf32> to vector<1x8192xf32>
      %swap3A_31 = arith.constant 0 : index
      %swap3A_32 = arith.constant 0 : index
      %swap3A_33 = vector.load %arg4[%swap3A_31, %swap3A_32] : memref<1x8192xf32, #tpu.memory_space<vmem>>, vector<1x8192xf32>
      tpu.vector_store %arg4[%swap3A_31, %swap3A_32], %reshape3A_30 {strides = array<i32>} : memref<1x8192xf32, #tpu.memory_space<vmem>>, vector<1x8192xf32>,
    } else {
    }
    %get3A_4 = arith.constant 0 : index
    %get3A_5 = arith.constant 0 : index
    %get3A_6 = vector.load %arg1[%get3A_4, %get3A_5] : memref<256x256xf32, #tpu.memory_space<vmem>>, vector<256x256xf32>
    %mul3A = arith.mulf %get3A_6, %get3A_6 : vector<256x256xf32>
    %reduce_sum3A = arith.constant dense<0.000000e+00> : vector<256xf32>
    %reduce_sum3A_7 = vector.multi_reduction <add>, %mul3A, %reduce_sum3A [1] : vector<256x256xf32> to vector<256xf32>
    %reshape3A = vector.shape_cast %reduce_sum3A_7 : vector<256xf32> to vector<256x1xf32>
    %dot_general3A = arith.constant dense<0.000000e+00> : vector<256x8192xf32>
    %dot_general3A_8 = tpu.matmul %get3A_6, %get3A_1, %dot_general3A {dimension_numbers = #tpu.dot_dimension_numbers<[1], [1], [0], [0], [0, 0, 1, 0], [], []>, transpose_lhs_hint = false} : vector<256x256xf32>, vector<8192x256xf32>, vector<256x8192xf32> -> vector<256x8192xf32>
    %get3A_9 = arith.constant 0 : index
    %get3A_10 = arith.constant 0 : index
    %get3A_11 = vector.load %arg4[%get3A_9, %get3A_10] : memref<1x8192xf32, #tpu.memory_space<vmem>>, vector<1x8192xf32>
    %add3A = vector.broadcast %reshape3A : vector<256x1xf32> to vector<256x8192xf32>
    %add3A_12 = vector.broadcast %get3A_11 : vector<1x8192xf32> to vector<256x8192xf32>
    %add3A_13 = arith.addf %add3A, %add3A_12 : vector<256x8192xf32>
    %mul3A_14 = arith.constant 2.000000e+00 : f32
    %mul3A_15 = vector.broadcast %mul3A_14 : f32 to vector<256x8192xf32>
    %mul3A_16 = arith.mulf %mul3A_15, %dot_general3A_8 : vector<256x8192xf32>
    %sub3A = arith.subf %add3A_13, %mul3A_16 : vector<256x8192xf32>
    %reduce_min3A = arith.constant dense<0x7F800000> : vector<256xf32>
    %reduce_min3A_17 = vector.multi_reduction <minimumf>, %sub3A, %reduce_min3A [1] : vector<256x8192xf32> to vector<256xf32>
    %broadcast_in_dim3A = vector.shape_cast %reduce_min3A_17 : vector<256xf32> to vector<256x1xf32>
    %iota3A = tpu.iota {dimensions = array<i32: 1>} : vector<256x8192xi32>
    %eq3A_18 = vector.broadcast %broadcast_in_dim3A : vector<256x1xf32> to vector<256x8192xf32>
    %eq3A_19 = arith.cmpf oeq, %sub3A, %eq3A_18 : vector<256x8192xf32>
    %jit3A = arith.constant 8192 : i32
    %broadcast_in_dim3A_20 = vector.broadcast %jit3A : i32 to vector<256x8192xi32>
    %select_n3A = arith.select %eq3A_19, %iota3A, %broadcast_in_dim3A_20 : vector<256x8192xi1>, vector<256x8192xi32>
    %reduce_min3A_21 = arith.constant dense<2147483647> : vector<256xi32>
    %reduce_min3A_22 = vector.multi_reduction <minsi>, %select_n3A, %reduce_min3A_21 [1] : vector<256x8192xi32> to vector<256xi32>
    %reshape3A_23 = vector.shape_cast %reduce_min3A_22 : vector<256xi32> to vector<1x1x256xi32>
    %swap3A = arith.constant 0 : index
    %swap3A_24 = arith.constant 0 : index
    %swap3A_25 = arith.constant 0 : index
    %swap3A_26 = vector.load %arg3[%swap3A, %swap3A_24, %swap3A_25] : memref<1x1x256xi32, #tpu.memory_space<vmem>>, vector<1x1x256xi32>
    tpu.vector_store %arg3[%swap3A, %swap3A_24, %swap3A_25], %reshape3A_23 {strides = array<i32>} : memref<1x1x256xi32, #tpu.memory_space<vmem>>, vector<1x1x256xi32>,
    return
  }
  func.func @transform_0(%arg0: i32) -> (i32, i32) {
    %c0_i32 = arith.constant 0 : i32
    %c0_i32_0 = arith.constant 0 : i32
    return %arg0, %c0_i32 : i32, i32
  }
  func.func @transform_1(%arg0: i32) -> (i32, i32) {
    %c0_i32 = arith.constant 0 : i32
    %c0_i32_0 = arith.constant 0 : i32
    %c0_i32_1 = arith.constant 0 : i32
    return %c0_i32, %c0_i32_0 : i32, i32
  }
  func.func @transform_2(%arg0: i32) -> (i32, i32, i32) {
    %c0_i32 = arith.constant 0 : i32
    %c0_i32_0 = arith.constant 0 : i32
    %c0_i32_1 = arith.constant 0 : i32
    return %arg0, %c0_i32, %c0_i32_0 : i32, i32, i32
  }
}

</mosaic_0001>

<sc_bundles>
// kernel: kernel.5.cloned.1.call-start
scs
__scs_entry_jumppad:
0x0: {  	(pc) =	sbr.rel $0x88, $3  }
0x1: {  	(tag) =	ssettag $0x0;
	lr =	simm.s32 $0x1  }
0x2: {  	[smem:$0x3F9F] =	sst lr;
	_ =	strace $0xD0000000  }
0x3: {  	_ = 	snop  }
0x4: {  	_ = 	snop  }
0x5: {  	_ = 	snop  }
0x6: {  	_ = 	snop  }
0x7: {  	_ = 	snop  }
__scs_overlays_trampoline_lowered:
0x8: {  	[smem:$0x3FAE] =	sst s0  }
0x9: {  	[smem:$0x3FAF] =	sst s1  }
0xa: {  	[smem:$0x3FB0] =	sst s2  }
0xb: {  	[smem:$0x3FB1] =	sst s3  }
0xc: {  	[smem:$0x3FB2] =	sst s4  }
0xd: {  	[smem:$0x3FB3] =	sst s5  }
0xe: {  	[smem:$0x3FB4] =	sst s6  }
0xf: {  	[smem:$0x3FB5] =	sst s7  }
0x10: {  	[smem:$0x3FB6] =	sst s8  }
0x11: {  	[smem:$0x3FB7] =	sst s9;
	s0 =	simm.s32 @!p0 $0x0  }
0x12: {  	s1 =	sld [smem:$0x3F9D];
	s0 =	simm.s32 @p0 $0x1  }
0x13: {  	[smem:$0x3FB8] =	sst s0;
	s0 =	simm.s32 @!p1 $0x0  }
0x14: {  	s2 =	sld [smem:$0x3F9C];
	s0 =	simm.s32 @p1 $0x1  }
0x15: {  	[smem:$0x3FB9] =	sst s0;
	s0 =	simm.s32 @!p2 $0x0  }
0x16: {  	s3 =	sld [smem:$0x3FDB];
	s0 =	simm.s32 @p2 $0x1  }
0x17: {  	s4 =	simm.s32 $0x1BF5;
	[smem:$0x3FBB] =	sst s0  }
0x18: {  	s0 =	sld [smem:$0x3F9E];
	_ =	swait.ge [sflag:s4], $0x0  }
0x19: {  	s7 =	sld [smem:$0x3F9F]  }
0x1a: {  	s8 =	sadd.s32 $0xFFFFE003, lr  }
0x1b: {  	s9 =	sadd.s32 $0xFFFFFEF7, lr;
	s5 =	simm.s32 $0xFFFFFFFF;
	p2 =	slt.u32 s8, $0xFFFFF086  }
0x1c: {  	p1 =	slt.u32 s9, $0xF7A;
	s5 =	simm.s32 @!p2 $0x0  }
0x1d: {  	s5 =	simm.s32 @p1 $0x1;
	p0 =	seq.s32 s7, s2  }
0x1e: {  	s7 =	smul.u32 @!p0 $0xF7A, s2;
	p2 =	seq.s32 @!p0 s5, $0x0  }
0x1f: {  	s9 =	smul.u32 $0xF7A, s1;
	s8 =	simm.s32 @!p0 $0x1BF5;
	p2 =	por !p2, p0  }
0x20: {  	[sflag:s8] =	ssyncset.s32 @!p0 $0xFFFFF086;
	s6 =	sadd.s32 @!p0 s3, s7;
	s7 =	simm.s32 @!p0 $0x108  }
0x21: {  	s3 =	sadd.s32 s3, s9;
	s6 =	sadd.s32 @!p0 $0x88, s6;
	s7 =	simm.s32 @p2 $0x1082  }
0x22: {  	[simem:s7], [sflag:s8] =	dma.local @!p0 [hbm:s6], $0xF7A  }
0x23: {  	s9 =	sor.u32 $0xD0000000, s2;
	s6 =	simm.s32 $0x108;
	_ =	swait.ge @!p0 [sflag:s8], $0x0  }
0x24: {  	s3 =	sadd.s32 $0x88, s3;
	s6 =	simm.s32 @!p1 $0x1082;
	[sflag:s4] =	ssyncset.s32 $0xFFFFF086  }
0x25: {  	[simem:s6], [sflag:s4] =	dma.local [hbm:s3], $0xF7A  }
0x26: {  	[smem:$0x3F9F] =	sst s1;
	(tag) =	ssettag s2;
	_ =	strace s9  }
0x27: {  	s1 =	sld [smem:$0x3FAF]  }
0x28: {  	s2 =	sld [smem:$0x3FB0]  }
0x29: {  	s4 =	sld [smem:$0x3FB2]  }
0x2a: {  	p0 =	seq.s32 s5, $0x0;
	s5 =	sld [smem:$0x3FB3]  }
0x2b: {  	s6 =	sld [smem:$0x3FB4]  }
0x2c: {  	s7 =	sld [smem:$0x3FB5]  }
0x2d: {  	s3 =	simm.s32 $0x108;
	s8 =	sld [smem:$0x3FB6]  }
0x2e: {  	s3 =	simm.s32 @!p0 $0x1082;
	s9 =	sld [smem:$0x3FB7]  }
0x2f: {  	lr =	sadd.s32 s0, s3;
	s0 =	sld [smem:$0x3FAE]  }
0x30: {  	s3 =	sld [smem:$0x3FB1]  }
0x31: {  	[smem:$0x3FBA] =	sst s10  }
0x32: {  	s10 =	sld [smem:$0x3FB8];
	_ =	sdelay $0x3  }
0x33: {  	p0 =	seq.s32 s10, $0x1;
	s10 =	sld [smem:$0x3FBA];
	_ =	sdelay $0x3  }
0x34: {  	[smem:$0x3FBA] =	sst s10  }
0x35: {  	s10 =	sld [smem:$0x3FB9];
	_ =	sdelay $0x3  }
0x36: {  	p1 =	seq.s32 s10, $0x1;
	s10 =	sld [smem:$0x3FBA];
	_ =	sdelay $0x3  }
0x37: {  	[smem:$0x3FBA] =	sst s10  }
0x38: {  	s10 =	sld [smem:$0x3FBB]  }
0x39: {  	_ = 	snop;
	(pc) =	sbr.ind lr, $3  }
0x3a: {  	_ = 	snop  }
0x3b: {  	_ = 	snop  }
0x3c: {  	p2 =	seq.s32 s10, $0x1;
	s10 =	sld [smem:$0x3FBA]  }
0x3d: {  	_ =	shalt  }
0x3e: {  	_ =	shalt  }
0x3f: {  	_ =	shalt  }
0x40: {  	_ =	shalt  }
0x41: {  	_ =	shalt  }
0x42: {  	_ =	shalt  }
0x43: {  	_ =	shalt  }
0x44: {  	_ =	shalt  }
0x45: {  	_ =	shalt  }
0x46: {  	_ =	shalt  }
0x47: {  	_ =	shalt  }
0x48: {  	_ =	shalt  }
0x49: {  	_ =	shalt  }
0x4a: {  	_ =	shalt  }
0x4b: {  	_ =	shalt  }
0x4c: {  	_ =	shalt  }
0x4d: {  	_ =	shalt  }
0x4e: {  	_ =	shalt  }
0x4f: {  	_ =	shalt  }
0x50: {  	_ =	shalt  }
0x51: {  	_ =	shalt  }
0x52: {  	_ =	shalt  }
0x53: {  	_ =	shalt  }
0x54: {  	_ =	shalt  }
0x55: {  	_ =	shalt  }
0x56: {  	_ =	shalt  }
0x57: {  	_ =	shalt  }
0x58: {  	_ =	shalt  }
0x59: {  	_ =	shalt  }
0x5a: {  	_ =	shalt  }
0x5b: {  	_ =	shalt  }
0x5c: {  	_ =	shalt  }
0x5d: {  	_ =	shalt  }
0x5e: {  	_ =	shalt  }
0x5f: {  	_ =	shalt  }
0x60: {  	_ =	shalt  }
0x61: {  	_ =	shalt  }
0x62: {  	_ =	shalt  }
0x63: {  	_ =	shalt  }
0x64: {  	_ =	shalt  }
0x65: {  	_ =	shalt  }
0x66: {  	_ =	shalt  }
0x67: {  	_ =	shalt  }
0x68: {  	_ =	shalt  }
0x69: {  	_ =	shalt  }
0x6a: {  	_ =	shalt  }
0x6b: {  	_ =	shalt  }
0x6c: {  	_ =	shalt  }
0x6d: {  	_ =	shalt  }
0x6e: {  	_ =	shalt  }
0x6f: {  	_ =	shalt  }
0x70: {  	_ =	shalt  }
0x71: {  	_ =	shalt  }
0x72: {  	_ =	shalt  }
0x73: {  	_ =	shalt  }
0x74: {  	_ =	shalt  }
0x75: {  	_ =	shalt  }
0x76: {  	_ =	shalt  }
0x77: {  	_ =	shalt  }
0x78: {  	_ =	shalt  }
0x79: {  	_ =	shalt  }
0x7a: {  	_ =	shalt  }
0x7b: {  	_ =	shalt  }
0x7c: {  	_ =	shalt  }
0x7d: {  	_ =	shalt  }
0x7e: {  	_ =	shalt  }
0x7f: {  	_ =	shalt  }
0x80: {  	_ =	shalt  }
0x81: {  	_ =	shalt  }
0x82: {  	_ =	shalt  }
0x83: {  	_ =	shalt  }
0x84: {  	_ =	shalt  }
0x85: {  	_ =	shalt  }
0x86: {  	_ =	shalt  }
0x87: {  	_ =	shalt  }
.Lfunc_end0:
.L_simem_size_0:
called_computation_lowered:
.L_overlay_start_0:
0x88: {  	s2 =	sld [smem:$0x3FD9]  }
0x89: {  	s3 =	sld [smem:$0x3FFE];
	_ =	sdelay $0x1  }
0x8a: {  	s1 =	srdreg.scid  }
0x8b: {  	s0 =	sand.u32 $0x1, s1  }
0x8c: {  	s14 =	sshll.u32 s0, $0xA;
	s2 =	sadd.s32 s3, s2  }
0x8d: {  	s2 =	sadd.s32 s2, s14  }
0x8e: {  	[smem:$0x3FC6] =	sst s2  }
0x8f: {  	_ = 	snop  }
0x90: {  	s2 =	sld [smem:$0x3FD0];
	_ =	sdelay $0x2  }
0x91: {  	s4 =	simm.s32 $0xA;
	s5 =	simm.s32 $0x10;
	s15 =	sld [smem:$0x3FC8]  }
0x92: {  	[smem:s5], [sflag:s4] =	dma.local [hbm:s2], $0x1  }
0x93: {  	_ =	swait.eq [sflag:s4], $0x1  }
0x94: {  	[sflag:s4] =	ssyncset.done $0x0  }
0x95: {  	[sflag:s4] =	ssyncadd.s32 $0xFFFFFFFF  }
0x96: {  	s16 =	sld [smem:$0x10];
	(tm) =	ssettm $0x1  }
0x97: {  	s17 =	sld [smem:$0x3FFB];
	_ =	sdelay $0x3  }
0x98: {  	_ =	strace s17  }
0x99: {  	s4 =	sld [smem:$0x3FFC];
	_ =	sdelay $0x3  }
0x9a: {  	_ =	strace s4  }
0x9b: {  	s4 =	sld [smem:$0x3FFD];
	_ =	sdelay $0x3  }
0x9c: {  	_ =	strace s4  }
0x9d: {  	_ =	strace $0x8FFFFFFF  }
0x9e: {  	s18 =	sld [smem:$0x3FDB];
	_ =	sdelay $0x1  }
0x9f: {  	s19 =	simm.s32 $_scs_section_size  }
0xa0: {  	s6 =	simm.s32 $_size__tile_overlayer_lowered;
	s7 =	simm.s32 $_tile_overlayer_lowered  }
0xa1: {  	s22 =	simm.s32 $0x1BFF;
	s21 =	sshll.u32 s7, $0x1;
	s4 =	sadd.s32 s19, s18  }
0xa2: {  	s8 =	simm.s32 $0x0;
	s20 =	sshll.u32 s6, $0x1;
	s6 =	sadd.s32 s21, s4  }
0xa3: {  	[timem:s8], [sflag:s22] =	dma.local [hbm:s6], s20  }
0xa4: {  	_ =	swait.ge [sflag:s22], s20  }
0xa5: {  	s5 =	ssub.s32 $0x0, s20;
	[sflag:s22] =	ssyncset.done $0x0  }
0xa6: {  	[sflag:s22] =	ssyncadd.s32 s5;
	_ =	sdelay $0x1  }
0xa7: {  	s23 =	simm.s32 $0x1B8B  }
0xa8: {  	_ =	swait.ge [sflag:s23], $0x1  }
0xa9: {  	[sflag:s23] =	ssyncset.done $0x0  }
0xaa: {  	s25 =	simm.s32 $0x1B8E;
	s24 =	sld [smem:$0x3FFE];
	[sflag:s23] =	ssyncadd.s32 $0xFFFFFFFF  }
0xab: {  	s26 =	simm.s32 $execute0_lowered;
	[smem:$0x3FD2] =	sst s25  }
0xac: {  	s6 =	sshll.u32 s26, $0x1;
	_ =	strace $0x80000046;
	[dreg:$0x1] =	wrdreg $0xFFFFFFFF  }
0xad: {  	s28 =	simm.s32 $_size_execute0_lowered;
	s4 =	sadd.s32 s4, s6;
	[dreg:$0x0] =	wrdreg $0x0  }
0xae: {  	s6 =	sshll.u32 s28, $0x1;
	[dreg:$0x2] =	wrdreg s4  }
0xaf: {  	[dreg:$0x3] =	wrdreg s6  }
0xb0: {  	[dreg:$0x4] =	wrdreg $0xC0  }
0xb1: {  	_ =	task [dreg:s8], $0x5FFFF  }
0xb2: {  	[dreg:$0x1] =	wrdreg $0xFFFFFFFF  }
0xb3: {  	[dreg:$0x0] =	wrdreg $0x60  }
0xb4: {  	[dreg:$0x2] =	wrdreg s15  }
0xb5: {  	[dreg:$0x3] =	wrdreg s16  }
0xb6: {  	[dreg:$0x4] =	wrdreg s24  }
0xb7: {  	[dreg:$0x5] =	wrdreg $0x9  }
0xb8: {  	_ =	task.clear_ibuf [dreg:s8], $0x6FFFF;
	_ =	strace $0x90000046  }
0xb9: {  	s29 =	simm.s32 $0x9;
	_ =	strace $0x80000048  }
0xba: {  	_ =	swait.ge [sflag:s29], $0x1  }
0xbb: {  	[sflag:s29] =	ssyncadd.s32 $0xFFFFFFFF  }
0xbc: {  	_ =	strace $0x90000048  }
0xbd: {  	_ =	sfence  }
0xbe: {  	s30 =	sld [smem:$0x0];
	_ =	sdelay $0x2  }
0xbf: {  	s31 =	sshll.u32 s1, $0xD;
	s1 =	sshrl.u32 s1, $0x2  }
0xc0: {  	s3 =	sand.u32 $0x4000, s31;
	s1 =	sadd.s32 s1, s30  }
0xc1: {  	s0 =	sor.u32 s3, s0;
	s1 =	sshll.u32 s1, $0x11  }
0xc2: {  	s0 =	sor.u32 s1, s0  }
0xc3: {  	s0 =	sadd.s32 $0x8F2B, s0  }
0xc4: {  	[sflag:s0] =	ssyncadd.remote.s32 $0x1  }
0xc5: {  	_ =	sfence.sel $0xFFFF  }
0xc6: {  	[dreg:$0x0] =	wrdreg $0xFFFFFFFF;
	(pc) =	sbr.abs _section_cstart, $3  }
0xc7: {  	[dreg:$0x1] =	wrdreg $0xFFFFFFFF  }
0xc8: {  	_ =	task.clear_ibuf [dreg:s8], $0x2FFFF;
	_ =	strace $0x9FFFFFFF  }
0xc9: {  	(tm) =	ssettm $0x7FFFFFFF  }
tec
execute0_lowered:
.L_overlay_start_1:
0x0: {  	(tag) =	ssettag $0x1  }
0x1: {  	s1 =	rddreg [dreg:$0x0]  }
0x2: {  	s2 =	rddreg [dreg:$0x1];
	s3 =	srdreg.scid  }
0x3: {  	s0 =	stileid.u32;
	s4 =	rddreg [dreg:$0x2];
	s28 =	simm.s32 $0x4400  }
0x4: {  	s29 =	simm.s32 $0x4C00;
	s5 =	sand.u32 $0x1, s3;
	s6 =	sshll.u32 s0, $0x1  }
0x5: {  	s30 =	simm.s32 $0x5400;
	s3 =	simm.s32 $0x0;
	s6 =	sor.u32 s5, s6  }
0x6: {  	s31 =	simm.s32 $0x5C00;
	[smem:$0x7FF] =	sst s3;
	s7 =	smul.u32 $0x240, s6  }
0x7: {  	s11 =	sadd.s32 $0x1E00, s4;
	s0 =	ssub.s32 $0x2, s5;
	_ =	strace $0x80000047  }
0x8: {  	s8 =	sshrl.u32 s0, $0x1;
	s6 =	smul.u32 $0x4800, s6;
	s14 =	sshrl.u32 s7, $0x3  }
0x9: {  	s9 =	sadd.s32 $0x60, s7;
	s10 =	sadd.s32 $0xC0, s7;
	s13 =	sadd.s32 $0x120, s7  }
0xa: {  	s19 =	sadd.s32 $0x180, s7;
	s6 =	sadd.s32 s11, s6;
	s5 =	sadd.s32 s2, s14  }
0xb: {  	s15 =	sshrl.u32 s9, $0x3;
	s12 =	sshrl.u32 s10, $0x3;
	s17 =	sshrl.u32 s13, $0x3  }
0xc: {  	s14 =	ssub.s32 s0, s8;
	s20 =	sshrl.u32 s19, $0x3;
	s22 =	sshll.u32 s9, $0x5  }
0xd: {  	s23 =	sshll.u32 s10, $0x5;
	s24 =	sshll.u32 s13, $0x5;
	s25 =	sshll.u32 s19, $0x5  }
0xe: {  	s13 =	simm.s32 $0x2;
	s19 =	simm.s32 $0x400;
	[dreg:$0x4] =	wrdreg s5  }
0xf: {  	s5 =	sadd.s32 s2, s15;
	s16 =	sadd.s32 s2, s12;
	s18 =	sadd.s32 s2, s17  }
0x10: {  	s15 =	sadd.s32 $0x1E0, s7;
	s4 =	sadd.s32 s2, s20;
	s7 =	sadd.s32 s11, s22  }
0x11: {  	s8 =	sadd.s32 s11, s23;
	s9 =	sadd.s32 s11, s24;
	s10 =	sadd.s32 s11, s25  }
0x12: {  	s12 =	smax.u32 s14, $0x1;
	s14 =	simm.s32 $0x80;
	s17 =	simm.s32 $0x200  }
0x13: {  	s20 =	simm.s32 $0xC00;
	s22 =	simm.s32 $0x1C00;
	[dreg:$0x5] =	wrdreg s5  }
0x14: {  	s23 =	simm.s32 $0x2400;
	s24 =	simm.s32 $0x2C00;
	[dreg:$0x6] =	wrdreg s16  }
0x15: {  	s25 =	simm.s32 $0x3400;
	[dreg:$0x7] =	wrdreg s18;
	s21 =	sshrl.u32 s15, $0x3  }
0x16: {  	v2 =	vlaneseq.u32;
	s26 =	sshll.u32 s15, $0x5;
	s15 =	simm.s32 $0x100;
	s16 =	simm.s32 $0x180  }
0x17: {  	vm0 =	vmmov $0xffff;
	v1 =	vshrl.u32 v2, $0x3;
	s18 =	simm.s32 $0x280;
	s5 =	sadd.s32 s2, s21;
	s11 =	sadd.s32 s11, s26  }
0x18: {  	v0 =	vand.u32 $0x7, v2;
	v2 =	vor.u32 $0x8, v2;
	v1 =	vmul.u32 $0x8, v1;
	s21 =	simm.s32 $0x1400;
	s26 =	simm.s32 $0x3C00;
	s2 =	simm.s32 $0x1  }
.LBB2_1:
0x19: {  	s0 =	rddreg [dreg:$0x4]  }
0x1a: {  	[tilespmem:s3], [sflag:$0x2] =	stream.linear.gather [hbm4b:s0+s3], $0x60, $0x38;
	[tilespmem:$0x6400] =	vst v63  }
0x1b: {  	_ =	swait.ge [sflag:s13], $0x60  }
0x1c: {  	[sflag:s13] =	ssyncset.done $0x0  }
0x1d: {  	s0 =	rddreg [dreg:$0x5];
	[sflag:s13] =	ssyncadd.s32 $0xFFFFFFA0  }
0x1e: {  	[tilespmem:s14], [sflag:$0x2] =	stream.linear.gather [hbm4b:s0+s3], $0x60, $0x38;
	[tilespmem:$0x6400] =	vst v63  }
0x1f: {  	_ =	swait.ge [sflag:s13], $0x60  }
0x20: {  	[sflag:s13] =	ssyncset.done $0x0  }
0x21: {  	s0 =	rddreg [dreg:$0x6];
	[sflag:s13] =	ssyncadd.s32 $0xFFFFFFA0  }
0x22: {  	[tilespmem:s15], [sflag:$0x2] =	stream.linear.gather [hbm4b:s0+s3], $0x60, $0x38;
	[tilespmem:$0x6400] =	vst v63  }
0x23: {  	_ =	swait.ge [sflag:s13], $0x60  }
0x24: {  	[sflag:s13] =	ssyncset.done $0x0  }
0x25: {  	s0 =	rddreg [dreg:$0x7];
	[sflag:s13] =	ssyncadd.s32 $0xFFFFFFA0  }
0x26: {  	[tilespmem:s16], [sflag:$0x2] =	stream.linear.gather [hbm4b:s0+s3], $0x60, $0x38;
	[tilespmem:$0x6400] =	vst v63  }
0x27: {  	_ =	swait.ge [sflag:s13], $0x60  }
0x28: {  	[sflag:s13] =	ssyncset.done $0x0  }
0x29: {  	[sflag:s13] =	ssyncadd.s32 $0xFFFFFFA0  }
0x2a: {  	[tilespmem:s17], [sflag:$0x2] =	stream.linear.gather [hbm4b:s4+s3], $0x60, $0x38;
	[tilespmem:$0x6400] =	vst v63  }
0x2b: {  	_ =	swait.ge [sflag:s13], $0x60  }
0x2c: {  	[sflag:s13] =	ssyncset.done $0x0  }
0x2d: {  	[sflag:s13] =	ssyncadd.s32 $0xFFFFFFA0  }
0x2e: {  	[tilespmem:s18], [sflag:$0x2] =	stream.linear.gather [hbm4b:s5+s3], $0x60, $0x38;
	[tilespmem:$0x6400] =	vst v63  }
0x2f: {  	_ =	swait.ge [sflag:s13], $0x60  }
0x30: {  	[sflag:s13] =	ssyncset.done $0x0  }
0x31: {  	[sflag:s13] =	ssyncadd.s32 $0xFFFFFFA0  }
0x32: {  	v3 =	vld [tilespmem:$0x0];
	_ =	sdelay $0x4  }
0x33: {  	v4 =	vshll.u32 v3, $0x1  }
0x34: {  	v3 =	vand.u32 $0x7, v3;
	v4 =	vand.u32 $0xFFFFFFF0, v4  }
0x35: {  	v3 =	vor.u32 v3, v4  }
0x36: {  	v4 =	vperm.xlane v3, v0;
	_ =	sdelay $0x1  }
0x37: {  	v3 =	vperm.xlane v3, v2;
	v4 =	vadd.s32 v1, v4;
	_ =	sdelay $0x1  }
0x38: {  	v3 =	vadd.s32 v1, v3;
	_ =	sdelay $0x2  }
0x39: {  	[tilespmem:s19], [sflag:$0x1] =	stream.indirect_vreg.gather [hbm4b:s1+s3], $0x80, v4, vm0, $0xb8;
	[tilespmem:$0x6400] =	vst v63  }
0x3a: {  	_ = 	snop  }
0x3b: {  	[tilespmem:s20], [sflag:$0x1] =	stream.indirect_vreg.gather [hbm4b:s1+s3], $0x80, v3, vm0, $0xb8;
	[tilespmem:$0x6400] =	vst v63  }
0x3c: {  	v3 =	vld [tilespmem:$0x10];
	_ =	sdelay $0x4  }
0x3d: {  	v29 =	vshll.u32 v3, $0x1  }
0x3e: {  	v3 =	vand.u32 $0x7, v3;
	v4 =	vand.u32 $0xFFFFFFF0, v29  }
0x3f: {  	v3 =	vor.u32 v3, v4  }
0x40: {  	v4 =	vperm.xlane v3, v0;
	_ =	sdelay $0x1  }
0x41: {  	v3 =	vperm.xlane v3, v2;
	v4 =	vadd.s32 v1, v4;
	_ =	sdelay $0x1  }
0x42: {  	v3 =	vadd.s32 v1, v3;
	_ =	sdelay $0x2  }
0x43: {  	[tilespmem:s21], [sflag:$0x1] =	stream.indirect_vreg.gather [hbm4b:s1+s3], $0x80, v4, vm0, $0xb8;
	[tilespmem:$0x6400] =	vst v63  }
0x44: {  	_ = 	snop  }
0x45: {  	[tilespmem:s22], [sflag:$0x1] =	stream.indirect_vreg.gather [hbm4b:s1+s3], $0x80, v3, vm0, $0xb8;
	[tilespmem:$0x6400] =	vst v63  }
0x46: {  	v3 =	vld [tilespmem:$0x20];
	_ =	sdelay $0x4  }
0x47: {  	v30 =	vshll.u32 v3, $0x1  }
0x48: {  	v3 =	vand.u32 $0x7, v3;
	v4 =	vand.u32 $0xFFFFFFF0, v30  }
0x49: {  	v3 =	vor.u32 v3, v4  }
0x4a: {  	v4 =	vperm.xlane v3, v0;
	_ =	sdelay $0x1  }
0x4b: {  	v3 =	vperm.xlane v3, v2;
	v4 =	vadd.s32 v1, v4;
	_ =	sdelay $0x1  }
0x4c: {  	v3 =	vadd.s32 v1, v3;
	_ =	sdelay $0x2  }
0x4d: {  	[tilespmem:s23], [sflag:$0x1] =	stream.indirect_vreg.gather [hbm4b:s1+s3], $0x80, v4, vm0, $0xb8;
	[tilespmem:$0x6400] =	vst v63  }
0x4e: {  	_ = 	snop  }
0x4f: {  	[tilespmem:s24], [sflag:$0x1] =	stream.indirect_vreg.gather [hbm4b:s1+s3], $0x80, v3, vm0, $0xb8;
	[tilespmem:$0x6400] =	vst v63  }
0x50: {  	v3 =	vld [tilespmem:$0x30];
	_ =	sdelay $0x4  }
0x51: {  	v31 =	vshll.u32 v3, $0x1  }
0x52: {  	v3 =	vand.u32 $0x7, v3;
	v4 =	vand.u32 $0xFFFFFFF0, v31  }
0x53: {  	v3 =	vor.u32 v3, v4  }
0x54: {  	v4 =	vperm.xlane v3, v0;
	_ =	sdelay $0x1  }
0x55: {  	v3 =	vperm.xlane v3, v2;
	v4 =	vadd.s32 v1, v4;
	_ =	sdelay $0x1  }
0x56: {  	v3 =	vadd.s32 v1, v3;
	_ =	sdelay $0x2  }
0x57: {  	[tilespmem:s25], [sflag:$0x1] =	stream.indirect_vreg.gather [hbm4b:s1+s3], $0x80, v4, vm0, $0xb8;
	[tilespmem:$0x6400] =	vst v63  }
0x58: {  	_ = 	snop  }
0x59: {  	[tilespmem:s26], [sflag:$0x1] =	stream.indirect_vreg.gather [hbm4b:s1+s3], $0x80, v3, vm0, $0xb8;
	[tilespmem:$0x6400] =	vst v63  }
0x5a: {  	v3 =	vld [tilespmem:$0x40];
	_ =	sdelay $0x4  }
0x5b: {  	v32 =	vshll.u32 v3, $0x1  }
0x5c: {  	v3 =	vand.u32 $0x7, v3;
	v4 =	vand.u32 $0xFFFFFFF0, v32  }
0x5d: {  	v3 =	vor.u32 v3, v4  }
0x5e: {  	v4 =	vperm.xlane v3, v0;
	_ =	sdelay $0x1  }
0x5f: {  	v3 =	vperm.xlane v3, v2;
	v4 =	vadd.s32 v1, v4;
	_ =	sdelay $0x1  }
0x60: {  	v3 =	vadd.s32 v1, v3;
	_ =	sdelay $0x2  }
0x61: {  	[tilespmem:s28], [sflag:$0x1] =	stream.indirect_vreg.gather [hbm4b:s1+s3], $0x80, v4, vm0, $0xb8;
	[tilespmem:$0x6400] =	vst v63  }
0x62: {  	_ = 	snop  }
0x63: {  	[tilespmem:s29], [sflag:$0x1] =	stream.indirect_vreg.gather [hbm4b:s1+s3], $0x80, v3, vm0, $0xb8;
	[tilespmem:$0x6400] =	vst v63  }
0x64: {  	v3 =	vld [tilespmem:$0x50];
	_ =	sdelay $0x4  }
0x65: {  	v33 =	vshll.u32 v3, $0x1  }
0x66: {  	v3 =	vand.u32 $0x7, v3;
	v4 =	vand.u32 $0xFFFFFFF0, v33  }
0x67: {  	v3 =	vor.u32 v3, v4  }
0x68: {  	v4 =	vperm.xlane v3, v0;
	_ =	sdelay $0x1  }
0x69: {  	v3 =	vperm.xlane v3, v2;
	v4 =	vadd.s32 v1, v4;
	_ =	sdelay $0x1  }
0x6a: {  	v3 =	vadd.s32 v1, v3;
	_ =	sdelay $0x2  }
0x6b: {  	[tilespmem:s30], [sflag:$0x1] =	stream.indirect_vreg.gather [hbm4b:s1+s3], $0x80, v4, vm0, $0xb8;
	[tilespmem:$0x6400] =	vst v63  }
0x6c: {  	_ = 	snop  }
0x6d: {  	[tilespmem:s31], [sflag:$0x1] =	stream.indirect_vreg.gather [hbm4b:s1+s3], $0x80, v3, vm0, $0xb8;
	[tilespmem:$0x6400] =	vst v63  }
0x6e: {  	_ =	swait.ge [sflag:s2], $0x6000  }
0x6f: {  	[sflag:s2] =	ssyncset.done $0x0  }
0x70: {  	[sflag:s2] =	ssyncadd.s32 $0xFFFFA000  }
0x71: {  	[hbm4b:s6+s3] =	stream.linear.scatter [tilespmem:s19], [sflag:$0x2], $0x6000, $0x38;
	[tilespmem:$0x6400] =	vst v63  }
0x72: {  	_ =	swait.ge [sflag:s13], $0x6000  }
0x73: {  	[sflag:s13] =	ssyncset.done $0x0  }
0x74: {  	[sflag:s13] =	ssyncadd.s32 $0xFFFFA000  }
0x75: {  	v3 =	vld [tilespmem:$0x80];
	_ =	sdelay $0x4  }
0x76: {  	v34 =	vshll.u32 v3, $0x1  }
0x77: {  	v3 =	vand.u32 $0x7, v3;
	v4 =	vand.u32 $0xFFFFFFF0, v34  }
0x78: {  	v3 =	vor.u32 v3, v4  }
0x79: {  	v4 =	vperm.xlane v3, v0;
	_ =	sdelay $0x1  }
0x7a: {  	v3 =	vperm.xlane v3, v2;
	v4 =	vadd.s32 v1, v4;
	_ =	sdelay $0x1  }
0x7b: {  	v3 =	vadd.s32 v1, v3;
	_ =	sdelay $0x2  }
0x7c: {  	[tilespmem:s19], [sflag:$0x1] =	stream.indirect_vreg.gather [hbm4b:s1+s3], $0x80, v4, vm0, $0xb8;
	[tilespmem:$0x6400] =	vst v63  }
0x7d: {  	_ = 	snop  }
0x7e: {  	[tilespmem:s20], [sflag:$0x1] =	stream.indirect_vreg.gather [hbm4b:s1+s3], $0x80, v3, vm0, $0xb8;
	[tilespmem:$0x6400] =	vst v63  }
0x7f: {  	v3 =	vld [tilespmem:$0x90];
	_ =	sdelay $0x4  }
0x80: {  	v35 =	vshll.u32 v3, $0x1  }
0x81: {  	v3 =	vand.u32 $0x7, v3;
	v4 =	vand.u32 $0xFFFFFFF0, v35  }
0x82: {  	v3 =	vor.u32 v3, v4  }
0x83: {  	v4 =	vperm.xlane v3, v0;
	_ =	sdelay $0x1  }
0x84: {  	v3 =	vperm.xlane v3, v2;
	v4 =	vadd.s32 v1, v4;
	_ =	sdelay $0x1  }
0x85: {  	v3 =	vadd.s32 v1, v3;
	_ =	sdelay $0x2  }
0x86: {  	[tilespmem:s21], [sflag:$0x1] =	stream.indirect_vreg.gather [hbm4b:s1+s3], $0x80, v4, vm0, $0xb8;
	[tilespmem:$0x6400] =	vst v63  }
0x87: {  	_ = 	snop  }
0x88: {  	[tilespmem:s22], [sflag:$0x1] =	stream.indirect_vreg.gather [hbm4b:s1+s3], $0x80, v3, vm0, $0xb8;
	[tilespmem:$0x6400] =	vst v63  }
0x89: {  	v3 =	vld [tilespmem:$0xA0];
	_ =	sdelay $0x4  }
0x8a: {  	v36 =	vshll.u32 v3, $0x1  }
0x8b: {  	v3 =	vand.u32 $0x7, v3;
	v4 =	vand.u32 $0xFFFFFFF0, v36  }
0x8c: {  	v3 =	vor.u32 v3, v4  }
0x8d: {  	v4 =	vperm.xlane v3, v0;
	_ =	sdelay $0x1  }
0x8e: {  	v3 =	vperm.xlane v3, v2;
	v4 =	vadd.s32 v1, v4;
	_ =	sdelay $0x1  }
0x8f: {  	v3 =	vadd.s32 v1, v3;
	_ =	sdelay $0x2  }
0x90: {  	[tilespmem:s23], [sflag:$0x1] =	stream.indirect_vreg.gather [hbm4b:s1+s3], $0x80, v4, vm0, $0xb8;
	[tilespmem:$0x6400] =	vst v63  }
0x91: {  	_ = 	snop  }
0x92: {  	[tilespmem:s24], [sflag:$0x1] =	stream.indirect_vreg.gather [hbm4b:s1+s3], $0x80, v3, vm0, $0xb8;
	[tilespmem:$0x6400] =	vst v63  }
0x93: {  	v3 =	vld [tilespmem:$0xB0];
	_ =	sdelay $0x4  }
0x94: {  	v37 =	vshll.u32 v3, $0x1  }
0x95: {  	v3 =	vand.u32 $0x7, v3;
	v4 =	vand.u32 $0xFFFFFFF0, v37  }
0x96: {  	v3 =	vor.u32 v3, v4  }
0x97: {  	v4 =	vperm.xlane v3, v0;
	_ =	sdelay $0x1  }
0x98: {  	v3 =	vperm.xlane v3, v2;
	v4 =	vadd.s32 v1, v4;
	_ =	sdelay $0x1  }
0x99: {  	v3 =	vadd.s32 v1, v3;
	_ =	sdelay $0x2  }
0x9a: {  	[tilespmem:s25], [sflag:$0x1] =	stream.indirect_vreg.gather [hbm4b:s1+s3], $0x80, v4, vm0, $0xb8;
	[tilespmem:$0x6400] =	vst v63  }
0x9b: {  	_ = 	snop  }
0x9c: {  	[tilespmem:s26], [sflag:$0x1] =	stream.indirect_vreg.gather [hbm4b:s1+s3], $0x80, v3, vm0, $0xb8;
	[tilespmem:$0x6400] =	vst v63  }
0x9d: {  	v3 =	vld [tilespmem:$0xC0];
	_ =	sdelay $0x4  }
0x9e: {  	v38 =	vshll.u32 v3, $0x1  }
0x9f: {  	v3 =	vand.u32 $0x7, v3;
	v4 =	vand.u32 $0xFFFFFFF0, v38  }
0xa0: {  	v3 =	vor.u32 v3, v4  }
0xa1: {  	v4 =	vperm.xlane v3, v0;
	_ =	sdelay $0x1  }
0xa2: {  	v3 =	vperm.xlane v3, v2;
	v4 =	vadd.s32 v1, v4;
	_ =	sdelay $0x1  }
0xa3: {  	v3 =	vadd.s32 v1, v3;
	_ =	sdelay $0x2  }
0xa4: {  	[tilespmem:s28], [sflag:$0x1] =	stream.indirect_vreg.gather [hbm4b:s1+s3], $0x80, v4, vm0, $0xb8;
	[tilespmem:$0x6400] =	vst v63  }
0xa5: {  	_ = 	snop  }
0xa6: {  	[tilespmem:s29], [sflag:$0x1] =	stream.indirect_vreg.gather [hbm4b:s1+s3], $0x80, v3, vm0, $0xb8;
	[tilespmem:$0x6400] =	vst v63  }
0xa7: {  	v3 =	vld [tilespmem:$0xD0];
	_ =	sdelay $0x4  }
0xa8: {  	v39 =	vshll.u32 v3, $0x1  }
0xa9: {  	v3 =	vand.u32 $0x7, v3;
	v4 =	vand.u32 $0xFFFFFFF0, v39  }
0xaa: {  	v3 =	vor.u32 v3, v4  }
0xab: {  	v4 =	vperm.xlane v3, v0;
	_ =	sdelay $0x1  }
0xac: {  	v3 =	vperm.xlane v3, v2;
	v4 =	vadd.s32 v1, v4;
	_ =	sdelay $0x1  }
0xad: {  	v3 =	vadd.s32 v1, v3;
	_ =	sdelay $0x2  }
0xae: {  	[tilespmem:s30], [sflag:$0x1] =	stream.indirect_vreg.gather [hbm4b:s1+s3], $0x80, v4, vm0, $0xb8;
	[tilespmem:$0x6400] =	vst v63  }
0xaf: {  	_ = 	snop  }
0xb0: {  	[tilespmem:s31], [sflag:$0x1] =	stream.indirect_vreg.gather [hbm4b:s1+s3], $0x80, v3, vm0, $0xb8;
	[tilespmem:$0x6400] =	vst v63  }
0xb1: {  	_ =	swait.ge [sflag:s2], $0x6000  }
0xb2: {  	[sflag:s2] =	ssyncset.done $0x0  }
0xb3: {  	[sflag:s2] =	ssyncadd.s32 $0xFFFFA000  }
0xb4: {  	[hbm4b:s7+s3] =	stream.linear.scatter [tilespmem:s19], [sflag:$0x2], $0x6000, $0x38;
	[tilespmem:$0x6400] =	vst v63  }
0xb5: {  	_ =	swait.ge [sflag:s13], $0x6000  }
0xb6: {  	[sflag:s13] =	ssyncset.done $0x0  }
0xb7: {  	[sflag:s13] =	ssyncadd.s32 $0xFFFFA000  }
0xb8: {  	v3 =	vld [tilespmem:$0x100];
	_ =	sdelay $0x4  }
0xb9: {  	v40 =	vshll.u32 v3, $0x1  }
0xba: {  	v3 =	vand.u32 $0x7, v3;
	v4 =	vand.u32 $0xFFFFFFF0, v40  }
0xbb: {  	v3 =	vor.u32 v3, v4  }
0xbc: {  	v4 =	vperm.xlane v3, v0;
	_ =	sdelay $0x1  }
0xbd: {  	v3 =	vperm.xlane v3, v2;
	v4 =	vadd.s32 v1, v4;
	_ =	sdelay $0x1  }
0xbe: {  	v3 =	vadd.s32 v1, v3;
	_ =	sdelay $0x2  }
0xbf: {  	[tilespmem:s19], [sflag:$0x1] =	stream.indirect_vreg.gather [hbm4b:s1+s3], $0x80, v4, vm0, $0xb8;
	[tilespmem:$0x6400] =	vst v63  }
0xc0: {  	_ = 	snop  }
0xc1: {  	[tilespmem:s20], [sflag:$0x1] =	stream.indirect_vreg.gather [hbm4b:s1+s3], $0x80, v3, vm0, $0xb8;
	[tilespmem:$0x6400] =	vst v63  }
0xc2: {  	v3 =	vld [tilespmem:$0x110];
	_ =	sdelay $0x4  }
0xc3: {  	v41 =	vshll.u32 v3, $0x1  }
0xc4: {  	v3 =	vand.u32 $0x7, v3;
	v4 =	vand.u32 $0xFFFFFFF0, v41  }
0xc5: {  	v3 =	vor.u32 v3, v4  }
0xc6: {  	v4 =	vperm.xlane v3, v0;
	_ =	sdelay $0x1  }
0xc7: {  	v3 =	vperm.xlane v3, v2;
	v4 =	vadd.s32 v1, v4;
	_ =	sdelay $0x1  }
0xc8: {  	v3 =	vadd.s32 v1, v3;
	_ =	sdelay $0x2  }
0xc9: {  	[tilespmem:s21], [sflag:$0x1] =	stream.indirect_vreg.gather [hbm4b:s1+s3], $0x80, v4, vm0, $0xb8;
	[tilespmem:$0x6400] =	vst v63  }
0xca: {  	_ = 	snop  }
0xcb: {  	[tilespmem:s22], [sflag:$0x1] =	stream.indirect_vreg.gather [hbm4b:s1+s3], $0x80, v3, vm0, $0xb8;
	[tilespmem:$0x6400] =	vst v63  }
0xcc: {  	v3 =	vld [tilespmem:$0x120];
	_ =	sdelay $0x4  }
0xcd: {  	v42 =	vshll.u32 v3, $0x1  }
0xce: {  	v3 =	vand.u32 $0x7, v3;
	v4 =	vand.u32 $0xFFFFFFF0, v42  }
0xcf: {  	v3 =	vor.u32 v3, v4  }
0xd0: {  	v4 =	vperm.xlane v3, v0;
	_ =	sdelay $0x1  }
0xd1: {  	v3 =	vperm.xlane v3, v2;
	v4 =	vadd.s32 v1, v4;
	_ =	sdelay $0x1  }
0xd2: {  	v3 =	vadd.s32 v1, v3;
	_ =	sdelay $0x2  }
0xd3: {  	[tilespmem:s23], [sflag:$0x1] =	stream.indirect_vreg.gather [hbm4b:s1+s3], $0x80, v4, vm0, $0xb8;
	[tilespmem:$0x6400] =	vst v63  }
0xd4: {  	_ = 	snop  }
0xd5: {  	[tilespmem:s24], [sflag:$0x1] =	stream.indirect_vreg.gather [hbm4b:s1+s3], $0x80, v3, vm0, $0xb8;
	[tilespmem:$0x6400] =	vst v63  }
0xd6: {  	v3 =	vld [tilespmem:$0x130];
	_ =	sdelay $0x4  }
0xd7: {  	v43 =	vshll.u32 v3, $0x1  }
0xd8: {  	v3 =	vand.u32 $0x7, v3;
	v4 =	vand.u32 $0xFFFFFFF0, v43  }
0xd9: {  	v3 =	vor.u32 v3, v4  }
0xda: {  	v4 =	vperm.xlane v3, v0;
	_ =	sdelay $0x1  }
0xdb: {  	v3 =	vperm.xlane v3, v2;
	v4 =	vadd.s32 v1, v4;
	_ =	sdelay $0x1  }
0xdc: {  	v3 =	vadd.s32 v1, v3;
	_ =	sdelay $0x2  }
0xdd: {  	[tilespmem:s25], [sflag:$0x1] =	stream.indirect_vreg.gather [hbm4b:s1+s3], $0x80, v4, vm0, $0xb8;
	[tilespmem:$0x6400] =	vst v63  }
0xde: {  	_ = 	snop  }
0xdf: {  	[tilespmem:s26], [sflag:$0x1] =	stream.indirect_vreg.gather [hbm4b:s1+s3], $0x80, v3, vm0, $0xb8;
	[tilespmem:$0x6400] =	vst v63  }
0xe0: {  	v3 =	vld [tilespmem:$0x140];
	_ =	sdelay $0x4  }
0xe1: {  	v44 =	vshll.u32 v3, $0x1  }
0xe2: {  	v3 =	vand.u32 $0x7, v3;
	v4 =	vand.u32 $0xFFFFFFF0, v44  }
0xe3: {  	v3 =	vor.u32 v3, v4  }
0xe4: {  	v4 =	vperm.xlane v3, v0;
	_ =	sdelay $0x1  }
0xe5: {  	v3 =	vperm.xlane v3, v2;
	v4 =	vadd.s32 v1, v4;
	_ =	sdelay $0x1  }
0xe6: {  	v3 =	vadd.s32 v1, v3;
	_ =	sdelay $0x2  }
0xe7: {  	[tilespmem:s28], [sflag:$0x1] =	stream.indirect_vreg.gather [hbm4b:s1+s3], $0x80, v4, vm0, $0xb8;
	[tilespmem:$0x6400] =	vst v63  }
0xe8: {  	_ = 	snop  }
0xe9: {  	[tilespmem:s29], [sflag:$0x1] =	stream.indirect_vreg.gather [hbm4b:s1+s3], $0x80, v3, vm0, $0xb8;
	[tilespmem:$0x6400] =	vst v63  }
0xea: {  	v3 =	vld [tilespmem:$0x150];
	_ =	sdelay $0x4  }
0xeb: {  	v45 =	vshll.u32 v3, $0x1  }
0xec: {  	v3 =	vand.u32 $0x7, v3;
	v4 =	vand.u32 $0xFFFFFFF0, v45  }
0xed: {  	v3 =	vor.u32 v3, v4  }
0xee: {  	v4 =	vperm.xlane v3, v0;
	_ =	sdelay $0x1  }
0xef: {  	v3 =	vperm.xlane v3, v2;
	v4 =	vadd.s32 v1, v4;
	_ =	sdelay $0x1  }
0xf0: {  	v3 =	vadd.s32 v1, v3;
	_ =	sdelay $0x2  }
0xf1: {  	[tilespmem:s30], [sflag:$0x1] =	stream.indirect_vreg.gather [hbm4b:s1+s3], $0x80, v4, vm0, $0xb8;
	[tilespmem:$0x6400] =	vst v63  }
0xf2: {  	_ = 	snop  }
0xf3: {  	[tilespmem:s31], [sflag:$0x1] =	stream.indirect_vreg.gather [hbm4b:s1+s3], $0x80, v3, vm0, $0xb8;
	[tilespmem:$0x6400] =	vst v63  }
0xf4: {  	_ =	swait.ge [sflag:s2], $0x6000  }
0xf5: {  	[sflag:s2] =	ssyncset.done $0x0  }
0xf6: {  	[sflag:s2] =	ssyncadd.s32 $0xFFFFA000  }
0xf7: {  	[hbm4b:s8+s3] =	stream.linear.scatter [tilespmem:s19], [sflag:$0x2], $0x6000, $0x38;
	[tilespmem:$0x6400] =	vst v63  }
0xf8: {  	_ =	swait.ge [sflag:s13], $0x6000  }
0xf9: {  	[sflag:s13] =	ssyncset.done $0x0  }
0xfa: {  	[sflag:s13] =	ssyncadd.s32 $0xFFFFA000  }
0xfb: {  	v3 =	vld [tilespmem:$0x180];
	_ =	sdelay $0x4  }
0xfc: {  	v46 =	vshll.u32 v3, $0x1  }
0xfd: {  	v3 =	vand.u32 $0x7, v3;
	v4 =	vand.u32 $0xFFFFFFF0, v46  }
0xfe: {  	v3 =	vor.u32 v3, v4  }
0xff: {  	v4 =	vperm.xlane v3, v0;
	_ =	sdelay $0x1  }
0x100: {  	v3 =	vperm.xlane v3, v2;
	v4 =	vadd.s32 v1, v4;
	_ =	sdelay $0x1  }
0x101: {  	v3 =	vadd.s32 v1, v3;
	_ =	sdelay $0x2  }
0x102: {  	[tilespmem:s19], [sflag:$0x1] =	stream.indirect_vreg.gather [hbm4b:s1+s3], $0x80, v4, vm0, $0xb8;
	[tilespmem:$0x6400] =	vst v63  }
0x103: {  	_ = 	snop  }
0x104: {  	[tilespmem:s20], [sflag:$0x1] =	stream.indirect_vreg.gather [hbm4b:s1+s3], $0x80, v3, vm0, $0xb8;
	[tilespmem:$0x6400] =	vst v63  }
0x105: {  	v3 =	vld [tilespmem:$0x190];
	_ =	sdelay $0x4  }
0x106: {  	v47 =	vshll.u32 v3, $0x1  }
0x107: {  	v3 =	vand.u32 $0x7, v3;
	v4 =	vand.u32 $0xFFFFFFF0, v47  }
0x108: {  	v3 =	vor.u32 v3, v4  }
0x109: {  	v4 =	vperm.xlane v3, v0;
	_ =	sdelay $0x1  }
0x10a: {  	v3 =	vperm.xlane v3, v2;
	v4 =	vadd.s32 v1, v4;
	_ =	sdelay $0x1  }
0x10b: {  	v3 =	vadd.s32 v1, v3;
	_ =	sdelay $0x2  }
0x10c: {  	[tilespmem:s21], [sflag:$0x1] =	stream.indirect_vreg.gather [hbm4b:s1+s3], $0x80, v4, vm0, $0xb8;
	[tilespmem:$0x6400] =	vst v63  }
0x10d: {  	_ = 	snop  }
0x10e: {  	[tilespmem:s22], [sflag:$0x1] =	stream.indirect_vreg.gather [hbm4b:s1+s3], $0x80, v3, vm0, $0xb8;
	[tilespmem:$0x6400] =	vst v63  }
0x10f: {  	v3 =	vld [tilespmem:$0x1A0];
	_ =	sdelay $0x4  }
0x110: {  	v48 =	vshll.u32 v3, $0x1  }
0x111: {  	v3 =	vand.u32 $0x7, v3;
	v4 =	vand.u32 $0xFFFFFFF0, v48  }
0x112: {  	v3 =	vor.u32 v3, v4  }
0x113: {  	v4 =	vperm.xlane v3, v0;
	_ =	sdelay $0x1  }
0x114: {  	v3 =	vperm.xlane v3, v2;
	v4 =	vadd.s32 v1, v4;
	_ =	sdelay $0x1  }
0x115: {  	v3 =	vadd.s32 v1, v3;
	_ =	sdelay $0x2  }
0x116: {  	[tilespmem:s23], [sflag:$0x1] =	stream.indirect_vreg.gather [hbm4b:s1+s3], $0x80, v4, vm0, $0xb8;
	[tilespmem:$0x6400] =	vst v63  }
0x117: {  	_ = 	snop  }
0x118: {  	[tilespmem:s24], [sflag:$0x1] =	stream.indirect_vreg.gather [hbm4b:s1+s3], $0x80, v3, vm0, $0xb8;
	[tilespmem:$0x6400] =	vst v63  }
0x119: {  	v3 =	vld [tilespmem:$0x1B0];
	_ =	sdelay $0x4  }
0x11a: {  	v49 =	vshll.u32 v3, $0x1  }
0x11b: {  	v3 =	vand.u32 $0x7, v3;
	v4 =	vand.u32 $0xFFFFFFF0, v49  }
0x11c: {  	v3 =	vor.u32 v3, v4  }
0x11d: {  	v4 =	vperm.xlane v3, v0;
	_ =	sdelay $0x1  }
0x11e: {  	v3 =	vperm.xlane v3, v2;
	v4 =	vadd.s32 v1, v4;
	_ =	sdelay $0x1  }
0x11f: {  	v3 =	vadd.s32 v1, v3;
	_ =	sdelay $0x2  }
0x120: {  	[tilespmem:s25], [sflag:$0x1] =	stream.indirect_vreg.gather [hbm4b:s1+s3], $0x80, v4, vm0, $0xb8;
	[tilespmem:$0x6400] =	vst v63  }
0x121: {  	_ = 	snop  }
0x122: {  	[tilespmem:s26], [sflag:$0x1] =	stream.indirect_vreg.gather [hbm4b:s1+s3], $0x80, v3, vm0, $0xb8;
	[tilespmem:$0x6400] =	vst v63  }
0x123: {  	v3 =	vld [tilespmem:$0x1C0];
	_ =	sdelay $0x4  }
0x124: {  	v50 =	vshll.u32 v3, $0x1  }
0x125: {  	v3 =	vand.u32 $0x7, v3;
	v4 =	vand.u32 $0xFFFFFFF0, v50  }
0x126: {  	v3 =	vor.u32 v3, v4  }
0x127: {  	v4 =	vperm.xlane v3, v0;
	_ =	sdelay $0x1  }
0x128: {  	v3 =	vperm.xlane v3, v2;
	v4 =	vadd.s32 v1, v4;
	_ =	sdelay $0x1  }
0x129: {  	v3 =	vadd.s32 v1, v3;
	_ =	sdelay $0x2  }
0x12a: {  	[tilespmem:s28], [sflag:$0x1] =	stream.indirect_vreg.gather [hbm4b:s1+s3], $0x80, v4, vm0, $0xb8;
	[tilespmem:$0x6400] =	vst v63  }
0x12b: {  	_ = 	snop  }
0x12c: {  	[tilespmem:s29], [sflag:$0x1] =	stream.indirect_vreg.gather [hbm4b:s1+s3], $0x80, v3, vm0, $0xb8;
	[tilespmem:$0x6400] =	vst v63  }
0x12d: {  	v3 =	vld [tilespmem:$0x1D0];
	_ =	sdelay $0x4  }
0x12e: {  	v51 =	vshll.u32 v3, $0x1  }
0x12f: {  	v3 =	vand.u32 $0x7, v3;
	v4 =	vand.u32 $0xFFFFFFF0, v51  }
0x130: {  	v3 =	vor.u32 v3, v4  }
0x131: {  	v4 =	vperm.xlane v3, v0;
	_ =	sdelay $0x1  }
0x132: {  	v3 =	vperm.xlane v3, v2;
	v4 =	vadd.s32 v1, v4;
	_ =	sdelay $0x1  }
0x133: {  	v3 =	vadd.s32 v1, v3;
	_ =	sdelay $0x2  }
0x134: {  	[tilespmem:s30], [sflag:$0x1] =	stream.indirect_vreg.gather [hbm4b:s1+s3], $0x80, v4, vm0, $0xb8;
	[tilespmem:$0x6400] =	vst v63  }
0x135: {  	_ = 	snop  }
0x136: {  	[tilespmem:s31], [sflag:$0x1] =	stream.indirect_vreg.gather [hbm4b:s1+s3], $0x80, v3, vm0, $0xb8;
	[tilespmem:$0x6400] =	vst v63  }
0x137: {  	_ =	swait.ge [sflag:s2], $0x6000  }
0x138: {  	[sflag:s2] =	ssyncset.done $0x0  }
0x139: {  	[sflag:s2] =	ssyncadd.s32 $0xFFFFA000  }
0x13a: {  	[hbm4b:s9+s3] =	stream.linear.scatter [tilespmem:s19], [sflag:$0x2], $0x6000, $0x38;
	[tilespmem:$0x6400] =	vst v63  }
0x13b: {  	_ =	swait.ge [sflag:s13], $0x6000  }
0x13c: {  	[sflag:s13] =	ssyncset.done $0x0  }
0x13d: {  	[sflag:s13] =	ssyncadd.s32 $0xFFFFA000  }
0x13e: {  	v3 =	vld [tilespmem:$0x200];
	_ =	sdelay $0x4  }
0x13f: {  	v52 =	vshll.u32 v3, $0x1  }
0x140: {  	v3 =	vand.u32 $0x7, v3;
	v4 =	vand.u32 $0xFFFFFFF0, v52  }
0x141: {  	v3 =	vor.u32 v3, v4  }
0x142: {  	v4 =	vperm.xlane v3, v0;
	_ =	sdelay $0x1  }
0x143: {  	v3 =	vperm.xlane v3, v2;
	v4 =	vadd.s32 v1, v4;
	_ =	sdelay $0x1  }
0x144: {  	v3 =	vadd.s32 v1, v3;
	_ =	sdelay $0x2  }
0x145: {  	[tilespmem:s19], [sflag:$0x1] =	stream.indirect_vreg.gather [hbm4b:s1+s3], $0x80, v4, vm0, $0xb8;
	[tilespmem:$0x6400] =	vst v63  }
0x146: {  	_ = 	snop  }
0x147: {  	[tilespmem:s20], [sflag:$0x1] =	stream.indirect_vreg.gather [hbm4b:s1+s3], $0x80, v3, vm0, $0xb8;
	[tilespmem:$0x6400] =	vst v63  }
0x148: {  	v3 =	vld [tilespmem:$0x210];
	_ =	sdelay $0x4  }
0x149: {  	v53 =	vshll.u32 v3, $0x1  }
0x14a: {  	v3 =	vand.u32 $0x7, v3;
	v4 =	vand.u32 $0xFFFFFFF0, v53  }
0x14b: {  	v3 =	vor.u32 v3, v4  }
0x14c: {  	v4 =	vperm.xlane v3, v0;
	_ =	sdelay $0x1  }
0x14d: {  	v3 =	vperm.xlane v3, v2;
	v4 =	vadd.s32 v1, v4;
	_ =	sdelay $0x1  }
0x14e: {  	v3 =	vadd.s32 v1, v3;
	_ =	sdelay $0x2  }
0x14f: {  	[tilespmem:s21], [sflag:$0x1] =	stream.indirect_vreg.gather [hbm4b:s1+s3], $0x80, v4, vm0, $0xb8;
	[tilespmem:$0x6400] =	vst v63  }
0x150: {  	_ = 	snop  }
0x151: {  	[tilespmem:s22], [sflag:$0x1] =	stream.indirect_vreg.gather [hbm4b:s1+s3], $0x80, v3, vm0, $0xb8;
	[tilespmem:$0x6400] =	vst v63  }
0x152: {  	v3 =	vld [tilespmem:$0x220];
	_ =	sdelay $0x4  }
0x153: {  	v54 =	vshll.u32 v3, $0x1  }
0x154: {  	v3 =	vand.u32 $0x7, v3;
	v4 =	vand.u32 $0xFFFFFFF0, v54  }
0x155: {  	v3 =	vor.u32 v3, v4  }
0x156: {  	v4 =	vperm.xlane v3, v0;
	_ =	sdelay $0x1  }
0x157: {  	v3 =	vperm.xlane v3, v2;
	v4 =	vadd.s32 v1, v4;
	_ =	sdelay $0x1  }
0x158: {  	v3 =	vadd.s32 v1, v3;
	_ =	sdelay $0x2  }
0x159: {  	[tilespmem:s23], [sflag:$0x1] =	stream.indirect_vreg.gather [hbm4b:s1+s3], $0x80, v4, vm0, $0xb8;
	[tilespmem:$0x6400] =	vst v63  }
0x15a: {  	_ = 	snop  }
0x15b: {  	[tilespmem:s24], [sflag:$0x1] =	stream.indirect_vreg.gather [hbm4b:s1+s3], $0x80, v3, vm0, $0xb8;
	[tilespmem:$0x6400] =	vst v63  }
0x15c: {  	v3 =	vld [tilespmem:$0x230];
	_ =	sdelay $0x4  }
0x15d: {  	v55 =	vshll.u32 v3, $0x1  }
0x15e: {  	v3 =	vand.u32 $0x7, v3;
	v4 =	vand.u32 $0xFFFFFFF0, v55  }
0x15f: {  	v3 =	vor.u32 v3, v4  }
0x160: {  	v4 =	vperm.xlane v3, v0;
	_ =	sdelay $0x1  }
0x161: {  	v3 =	vperm.xlane v3, v2;
	v4 =	vadd.s32 v1, v4;
	_ =	sdelay $0x1  }
0x162: {  	v3 =	vadd.s32 v1, v3;
	_ =	sdelay $0x2  }
0x163: {  	[tilespmem:s25], [sflag:$0x1] =	stream.indirect_vreg.gather [hbm4b:s1+s3], $0x80, v4, vm0, $0xb8;
	[tilespmem:$0x6400] =	vst v63  }
0x164: {  	_ = 	snop  }
0x165: {  	[tilespmem:s26], [sflag:$0x1] =	stream.indirect_vreg.gather [hbm4b:s1+s3], $0x80, v3, vm0, $0xb8;
	[tilespmem:$0x6400] =	vst v63  }
0x166: {  	v3 =	vld [tilespmem:$0x240];
	_ =	sdelay $0x4  }
0x167: {  	v56 =	vshll.u32 v3, $0x1  }
0x168: {  	v3 =	vand.u32 $0x7, v3;
	v4 =	vand.u32 $0xFFFFFFF0, v56  }
0x169: {  	v3 =	vor.u32 v3, v4  }
0x16a: {  	v4 =	vperm.xlane v3, v0;
	_ =	sdelay $0x1  }
0x16b: {  	v3 =	vperm.xlane v3, v2;
	v4 =	vadd.s32 v1, v4;
	_ =	sdelay $0x1  }
0x16c: {  	v3 =	vadd.s32 v1, v3;
	_ =	sdelay $0x2  }
0x16d: {  	[tilespmem:s28], [sflag:$0x1] =	stream.indirect_vreg.gather [hbm4b:s1+s3], $0x80, v4, vm0, $0xb8;
	[tilespmem:$0x6400] =	vst v63  }
0x16e: {  	_ = 	snop  }
0x16f: {  	[tilespmem:s29], [sflag:$0x1] =	stream.indirect_vreg.gather [hbm4b:s1+s3], $0x80, v3, vm0, $0xb8;
	[tilespmem:$0x6400] =	vst v63  }
0x170: {  	v3 =	vld [tilespmem:$0x250];
	_ =	sdelay $0x4  }
0x171: {  	v57 =	vshll.u32 v3, $0x1  }
0x172: {  	v3 =	vand.u32 $0x7, v3;
	v4 =	vand.u32 $0xFFFFFFF0, v57  }
0x173: {  	v3 =	vor.u32 v3, v4  }
0x174: {  	v4 =	vperm.xlane v3, v0;
	_ =	sdelay $0x1  }
0x175: {  	v3 =	vperm.xlane v3, v2;
	v4 =	vadd.s32 v1, v4;
	_ =	sdelay $0x1  }
0x176: {  	v3 =	vadd.s32 v1, v3;
	_ =	sdelay $0x2  }
0x177: {  	[tilespmem:s30], [sflag:$0x1] =	stream.indirect_vreg.gather [hbm4b:s1+s3], $0x80, v4, vm0, $0xb8;
	[tilespmem:$0x6400] =	vst v63  }
0x178: {  	_ = 	snop  }
0x179: {  	[tilespmem:s31], [sflag:$0x1] =	stream.indirect_vreg.gather [hbm4b:s1+s3], $0x80, v3, vm0, $0xb8;
	[tilespmem:$0x6400] =	vst v63  }
0x17a: {  	_ =	swait.ge [sflag:s2], $0x6000  }
0x17b: {  	[sflag:s2] =	ssyncset.done $0x0  }
0x17c: {  	[sflag:s2] =	ssyncadd.s32 $0xFFFFA000  }
0x17d: {  	[hbm4b:s10+s3] =	stream.linear.scatter [tilespmem:s19], [sflag:$0x2], $0x6000, $0x38;
	[tilespmem:$0x6400] =	vst v63  }
0x17e: {  	_ =	swait.ge [sflag:s13], $0x6000  }
0x17f: {  	[sflag:s13] =	ssyncset.done $0x0  }
0x180: {  	[sflag:s13] =	ssyncadd.s32 $0xFFFFA000  }
0x181: {  	v3 =	vld [tilespmem:$0x280];
	_ =	sdelay $0x4  }
0x182: {  	v58 =	vshll.u32 v3, $0x1  }
0x183: {  	v3 =	vand.u32 $0x7, v3;
	v4 =	vand.u32 $0xFFFFFFF0, v58  }
0x184: {  	v3 =	vor.u32 v3, v4  }
0x185: {  	v4 =	vperm.xlane v3, v0;
	_ =	sdelay $0x1  }
0x186: {  	v3 =	vperm.xlane v3, v2;
	v4 =	vadd.s32 v1, v4;
	_ =	sdelay $0x1  }
0x187: {  	v3 =	vadd.s32 v1, v3;
	_ =	sdelay $0x2  }
0x188: {  	[tilespmem:s19], [sflag:$0x1] =	stream.indirect_vreg.gather [hbm4b:s1+s3], $0x80, v4, vm0, $0xb8;
	[tilespmem:$0x6400] =	vst v63  }
0x189: {  	_ = 	snop  }
0x18a: {  	[tilespmem:s20], [sflag:$0x1] =	stream.indirect_vreg.gather [hbm4b:s1+s3], $0x80, v3, vm0, $0xb8;
	[tilespmem:$0x6400] =	vst v63  }
0x18b: {  	v3 =	vld [tilespmem:$0x290];
	_ =	sdelay $0x4  }
0x18c: {  	v59 =	vshll.u32 v3, $0x1  }
0x18d: {  	v3 =	vand.u32 $0x7, v3;
	v4 =	vand.u32 $0xFFFFFFF0, v59  }
0x18e: {  	v3 =	vor.u32 v3, v4  }
0x18f: {  	v4 =	vperm.xlane v3, v0;
	_ =	sdelay $0x1  }
0x190: {  	v3 =	vperm.xlane v3, v2;
	v4 =	vadd.s32 v1, v4;
	_ =	sdelay $0x1  }
0x191: {  	v3 =	vadd.s32 v1, v3;
	_ =	sdelay $0x2  }
0x192: {  	[tilespmem:s21], [sflag:$0x1] =	stream.indirect_vreg.gather [hbm4b:s1+s3], $0x80, v4, vm0, $0xb8;
	[tilespmem:$0x6400] =	vst v63  }
0x193: {  	_ = 	snop  }
0x194: {  	[tilespmem:s22], [sflag:$0x1] =	stream.indirect_vreg.gather [hbm4b:s1+s3], $0x80, v3, vm0, $0xb8;
	[tilespmem:$0x6400] =	vst v63  }
0x195: {  	v3 =	vld [tilespmem:$0x2A0];
	_ =	sdelay $0x4  }
0x196: {  	v60 =	vshll.u32 v3, $0x1  }
0x197: {  	v3 =	vand.u32 $0x7, v3;
	v4 =	vand.u32 $0xFFFFFFF0, v60  }
0x198: {  	v3 =	vor.u32 v3, v4  }
0x199: {  	v4 =	vperm.xlane v3, v0;
	_ =	sdelay $0x1  }
0x19a: {  	v3 =	vperm.xlane v3, v2;
	v4 =	vadd.s32 v1, v4;
	_ =	sdelay $0x1  }
0x19b: {  	v3 =	vadd.s32 v1, v3;
	_ =	sdelay $0x2  }
0x19c: {  	[tilespmem:s23], [sflag:$0x1] =	stream.indirect_vreg.gather [hbm4b:s1+s3], $0x80, v4, vm0, $0xb8;
	[tilespmem:$0x6400] =	vst v63  }
0x19d: {  	_ = 	snop  }
0x19e: {  	[tilespmem:s24], [sflag:$0x1] =	stream.indirect_vreg.gather [hbm4b:s1+s3], $0x80, v3, vm0, $0xb8;
	[tilespmem:$0x6400] =	vst v63  }
0x19f: {  	v3 =	vld [tilespmem:$0x2B0];
	_ =	sdelay $0x4  }
0x1a0: {  	v61 =	vshll.u32 v3, $0x1  }
0x1a1: {  	v3 =	vand.u32 $0x7, v3;
	v4 =	vand.u32 $0xFFFFFFF0, v61  }
0x1a2: {  	v3 =	vor.u32 v3, v4  }
0x1a3: {  	v4 =	vperm.xlane v3, v0;
	_ =	sdelay $0x1  }
0x1a4: {  	v3 =	vperm.xlane v3, v2;
	v4 =	vadd.s32 v1, v4;
	_ =	sdelay $0x1  }
0x1a5: {  	v3 =	vadd.s32 v1, v3;
	_ =	sdelay $0x2  }
0x1a6: {  	[tilespmem:s25], [sflag:$0x1] =	stream.indirect_vreg.gather [hbm4b:s1+s3], $0x80, v4, vm0, $0xb8;
	[tilespmem:$0x6400] =	vst v63  }
0x1a7: {  	_ = 	snop  }
0x1a8: {  	[tilespmem:s26], [sflag:$0x1] =	stream.indirect_vreg.gather [hbm4b:s1+s3], $0x80, v3, vm0, $0xb8;
	[tilespmem:$0x6400] =	vst v63  }
0x1a9: {  	v3 =	vld [tilespmem:$0x2C0];
	_ =	sdelay $0x4  }
0x1aa: {  	v62 =	vshll.u32 v3, $0x1  }
0x1ab: {  	v3 =	vand.u32 $0x7, v3;
	v4 =	vand.u32 $0xFFFFFFF0, v62  }
0x1ac: {  	v3 =	vor.u32 v3, v4  }
0x1ad: {  	v4 =	vperm.xlane v3, v0;
	_ =	sdelay $0x1  }
0x1ae: {  	v3 =	vperm.xlane v3, v2;
	v4 =	vadd.s32 v1, v4;
	_ =	sdelay $0x1  }
0x1af: {  	v3 =	vadd.s32 v1, v3;
	_ =	sdelay $0x2  }
0x1b0: {  	[tilespmem:s28], [sflag:$0x1] =	stream.indirect_vreg.gather [hbm4b:s1+s3], $0x80, v4, vm0, $0xb8;
	[tilespmem:$0x6400] =	vst v63  }
0x1b1: {  	_ = 	snop  }
0x1b2: {  	[tilespmem:s29], [sflag:$0x1] =	stream.indirect_vreg.gather [hbm4b:s1+s3], $0x80, v3, vm0, $0xb8;
	[tilespmem:$0x6400] =	vst v63  }
0x1b3: {  	v3 =	vld [tilespmem:$0x2D0];
	_ =	sdelay $0x4  }
0x1b4: {  	v63 =	vshll.u32 v3, $0x1  }
0x1b5: {  	v3 =	vand.u32 $0x7, v3;
	v4 =	vand.u32 $0xFFFFFFF0, v63  }
0x1b6: {  	v3 =	vor.u32 v3, v4  }
0x1b7: {  	v4 =	vperm.xlane v3, v0;
	_ =	sdelay $0x1  }
0x1b8: {  	v3 =	vperm.xlane v3, v2;
	v4 =	vadd.s32 v1, v4;
	_ =	sdelay $0x1  }
0x1b9: {  	v3 =	vadd.s32 v1, v3;
	_ =	sdelay $0x2  }
0x1ba: {  	[tilespmem:s30], [sflag:$0x1] =	stream.indirect_vreg.gather [hbm4b:s1+s3], $0x80, v4, vm0, $0xb8;
	[tilespmem:$0x6400] =	vst v63  }
0x1bb: {  	_ = 	snop  }
0x1bc: {  	[tilespmem:s31], [sflag:$0x1] =	stream.indirect_vreg.gather [hbm4b:s1+s3], $0x80, v3, vm0, $0xb8;
	[tilespmem:$0x6400] =	vst v63  }
0x1bd: {  	_ =	swait.ge [sflag:s2], $0x6000  }
0x1be: {  	p0 =	sne.s32 s12, $0x1;
	[sflag:s2] =	ssyncset.done $0x0  }
.Ltmp0:
0x1bf: {  	[sflag:s2] =	ssyncadd.s32 $0xFFFFA000;
	(pc) =	sbr.rel @p0 .LBB2_1-.Ltmp0, $4  }
0x1c0: {  	[hbm4b:s11+s3] =	stream.linear.scatter [tilespmem:s19], [sflag:$0x2], $0x6000, $0x38;
	[tilespmem:$0x6400] =	vst v63  }
0x1c1: {  	_ =	swait.ge [sflag:s13], $0x6000  }
0x1c2: {  	[sflag:s13] =	ssyncset.done $0x0  }
0x1c3: {  	s12 =	sadd.s32 $0xFFFFFFFF, s12;
	[sflag:s13] =	ssyncadd.s32 $0xFFFFA000  }
0x1c4: {  	_ =	sfence.sel $0x180000  }
0x1c5: {  	[bflag:$0x0] =	sbarrier.arrive $0xFFFF  }
0x1c6: {  	_ =	strace $0x90000047  }
0x1c7: {  	s0 =	stileid.u32;
	[bflag:$0x2] =	sbarrier.arrive $0xFFFF  }
0x1c8: {  	p0 =	sne.s32 s0, $0x0;
	s0 =	rddreg [dreg:$0x3]  }
0x1c9: {  	s0 =	sadd.s32 @!p0 $0x100000, s0  }
0x1ca: {  	[sflag:s0] =	ssyncadd.tile.s32 @!p0 $0x1;
	_ =	shalt  }
.Lfunc_end2:
_tile_overlayer_lowered:
.L_overlay_start_2:
0x1cb: {  	(tag) =	ssettag $0x2  }
0x1cc: {  	s0 =	rddreg [dreg:$0x0];
	s2 =	stileid.u32  }
0x1cd: {  	s1 =	rddreg [dreg:$0x1];
	p0 =	sne.s32 s2, $0x0  }
0x1ce: {  	s3 =	rddreg [dreg:$0x2];
	[bflag:$0x3] =	sbarrier.arrive $0xFFFF;
	s2 =	simm.s32 @!p0 $0x1C02  }
0x1cf: {  	[timem:s3], [sflag:s2] =	dma.local @!p0 [hbm:s0], s1  }
0x1d0: {  	s0 =	simm.s32 @!p0 $0x2  }
0x1d1: {  	_ =	swait.ge @!p0 [sflag:s0], s1  }
0x1d2: {  	s1 =	ssub.s32 @!p0 $0x0, s1;
	[sflag:s0] =	ssyncset.done @!p0 $0x0  }
0x1d3: {  	[sflag:s0] =	ssyncadd.s32 @!p0 s1  }
0x1d4: {  	[bflag:$0x3] =	sbarrier.arrive $0xFFFF  }
0x1d5: {  	_ =	shalt  }

</sc_bundles>
